<compile_context>
chip_gen: v7x
topology: tpu7x:2x2x1
jax: 0.10.2.dev20260603
libtpu: 0.0.44.dev20260713+nightly
codegen_flags: <defaults>
</compile_context>

<pallas_src>
import jax
import jax.numpy as jnp
from jax import lax
from jax.experimental import pallas as pl
from jax.experimental.pallas import tpu as pltpu
from jax.experimental.pallas import tpu_sc as plsc

N = 10000
E = 320000
D = 128
N_CLASSES = 10
N_GRAPHS = 64

NC = 2
NS = 16
NW = NC * NS

CHUNK = 128
NCHUNKS = 80
EDGES_PER_TILE = CHUNK * NCHUNKS
E_PAD = EDGES_PER_TILE * NW
N_PAD = 10240
ROWS_PER_TILE = N_PAD // NS
DEGW = 16

ROW_BLK = 1000
GRID = N // ROW_BLK

_f32 = jnp.float32


ZROWS = 16


def _zero_vmem_block(zbuf, ncols):
    def zrow(r, carry):
        for cc in range(ncols // 16):
            zbuf[r, pl.ds(cc * 16, 16)] = jnp.zeros((16,), _f32)
        return carry
    lax.fori_loop(0, ZROWS, zrow, 0)


def _zero_spmem_rows(acc, zbuf, row0, nrows):
    def zchunk(j, carry):
        pltpu.sync_copy(zbuf, acc.at[pl.ds(row0 + j * ZROWS, ZROWS)])
        return carry
    lax.fori_loop(0, nrows // ZROWS, zchunk, 0)


def _deg_body(dst_hbm, out_hbm, acc, zbuf, ones_v, dbuf0, dbuf1,
              semd0, semd1):
    c = lax.axis_index("c")
    s = lax.axis_index("s")
    wid = c * NS + s
    row0 = s * ROWS_PER_TILE
    _zero_vmem_block(zbuf, DEGW)
    _zero_spmem_rows(acc, zbuf, row0, ROWS_PER_TILE)

    def orow(r, carry):
        ones_v[r] = jnp.ones((16,), _f32)
        return carry
    lax.fori_loop(0, CHUNK, orow, 0)
    plsc.subcore_barrier()

    ebase = wid * EDGES_PER_TILE
    pltpu.async_copy(dst_hbm.at[pl.ds(ebase, CHUNK)], dbuf0, semd0)
    pltpu.async_copy(dst_hbm.at[pl.ds(ebase + CHUNK, CHUNK)], dbuf1, semd1)

    def half(i, dbuf, semd):
        pltpu.make_async_copy(dst_hbm.at[pl.ds(ebase, CHUNK)], dbuf,
                              semd).wait()
        pltpu.sync_copy(ones_v, acc.at[dbuf], add=True)

        @pl.when(i < NCHUNKS - 2)
        def _():
            pltpu.async_copy(
                dst_hbm.at[pl.ds(ebase + (i + 2) * CHUNK, CHUNK)], dbuf, semd)

    def step(j, carry):
        half(2 * j, dbuf0, semd0)
        half(2 * j + 1, dbuf1, semd1)
        return carry
    lax.fori_loop(0, NCHUNKS // 2, step, 0)
    plsc.subcore_barrier()
    pltpu.sync_copy(acc.at[pl.ds(row0, ROWS_PER_TILE)],
                    out_hbm.at[c, pl.ds(row0, ROWS_PER_TILE)])


def _conv_body(src_hbm, dst_hbm, g_hbm, out_hbm, acc, zbuf, idx_s,
               dbuf0, dbuf1, rows0, rows1,
               semg0, semg1, semd0, semd1):
    c = lax.axis_index("c")
    s = lax.axis_index("s")
    wid = c * NS + s
    row0 = s * ROWS_PER_TILE
    _zero_vmem_block(zbuf, D)
    _zero_spmem_rows(acc, zbuf, row0, ROWS_PER_TILE)
    pltpu.sync_copy(src_hbm.at[wid], idx_s)
    plsc.subcore_barrier()

    ebase = wid * EDGES_PER_TILE

    pltpu.async_copy(dst_hbm.at[pl.ds(ebase, CHUNK)], dbuf0, semd0)
    pltpu.async_copy(dst_hbm.at[pl.ds(ebase + CHUNK, CHUNK)], dbuf1, semd1)
    pltpu.async_copy(g_hbm.at[idx_s.at[0]], rows0, semg0)
    pltpu.async_copy(g_hbm.at[idx_s.at[1]], rows1, semg1)

    def half(i, dbuf, rows, semd, semg):
        pltpu.make_async_copy(g_hbm.at[idx_s.at[i]], rows, semg).wait()
        pltpu.make_async_copy(dst_hbm.at[pl.ds(ebase, CHUNK)], dbuf,
                              semd).wait()
        pltpu.sync_copy(rows, acc.at[dbuf], add=True)

        @pl.when(i < NCHUNKS - 2)
        def _():
            pltpu.async_copy(
                dst_hbm.at[pl.ds(ebase + (i + 2) * CHUNK, CHUNK)], dbuf, semd)
            pltpu.async_copy(g_hbm.at[idx_s.at[i + 2]], rows, semg)

    def body(j, carry):
        half(2 * j, dbuf0, rows0, semd0, semg0)
        half(2 * j + 1, dbuf1, rows1, semd1, semg1)
        return carry
    lax.fori_loop(0, NCHUNKS // 2, body, 0)
    plsc.subcore_barrier()
    pltpu.sync_copy(acc.at[pl.ds(row0, ROWS_PER_TILE)],
                    out_hbm.at[c, pl.ds(row0, ROWS_PER_TILE)])


_sc_kernels_cache = {}


def _get_sc_kernels():
    if "k" not in _sc_kernels_cache:
        mesh = plsc.VectorSubcoreMesh(core_axis_name="c", subcore_axis_name="s")
        deg_k = pl.kernel(
            _deg_body,
            out_type=jax.ShapeDtypeStruct((NC, N_PAD, DEGW), _f32),
            mesh=mesh,
            scratch_types=[
                pltpu.VMEM_SHARED((N_PAD, DEGW), _f32),
                pltpu.VMEM((ZROWS, DEGW), _f32),
                pltpu.VMEM((CHUNK, DEGW), _f32),
                pltpu.VMEM((CHUNK,), jnp.int32),
                pltpu.VMEM((CHUNK,), jnp.int32),
                pltpu.SemaphoreType.DMA,
                pltpu.SemaphoreType.DMA,
            ],
        )
        conv_k = pl.kernel(
            _conv_body,
            out_type=jax.ShapeDtypeStruct((NC, N_PAD, D), _f32),
            mesh=mesh,
            scratch_types=[
                pltpu.VMEM_SHARED((N_PAD, D), _f32),
                pltpu.VMEM((ZROWS, D), _f32),
                pltpu.VMEM((NCHUNKS, CHUNK), jnp.int32),
                pltpu.VMEM((CHUNK,), jnp.int32),
                pltpu.VMEM((CHUNK,), jnp.int32),
                pltpu.VMEM((CHUNK, D), _f32),
                pltpu.VMEM((CHUNK, D), _f32),
                pltpu.SemaphoreType.DMA,
                pltpu.SemaphoreType.DMA,
                pltpu.SemaphoreType.DMA,
                pltpu.SemaphoreType.DMA,
            ],
        )
        _sc_kernels_cache["k"] = (deg_k, conv_k)
    return _sc_kernels_cache["k"]



def _dinv(d0_ref, d1_ref):
    d = d0_ref[:, 0:1] + d1_ref[:, 0:1] + 1.0
    return lax.rsqrt(d)


def _kmm_body(x_ref, w_ref, o_ref):
    o_ref[...] = jnp.dot(x_ref[...], w_ref[...], preferred_element_type=_f32)


def _kscale_body(h_ref, d0_ref, d1_ref, o_ref):
    o_ref[...] = h_ref[...] * _dinv(d0_ref, d1_ref)


def _kb_body(a0_ref, a1_ref, g_ref, d0_ref, d1_ref, bias_ref, w_ref, o_ref):
    dinv = _dinv(d0_ref, d1_ref)
    h = (a0_ref[...] + a1_ref[...] + g_ref[...]) * dinv + bias_ref[...]
    h = jnp.maximum(h, 0.0)
    o_ref[...] = jnp.dot(h, w_ref[...], preferred_element_type=_f32) * dinv


def _kc_body(a0_ref, a1_ref, g_ref, d0_ref, d1_ref, bias_ref, bb_ref,
             w_ref, bl_ref, o_ref, sums_ref, cnts_ref):
    i = pl.program_id(0)
    dinv = _dinv(d0_ref, d1_ref)
    h = (a0_ref[...] + a1_ref[...] + g_ref[...]) * dinv + bias_ref[...]
    h = jnp.maximum(h, 0.0)
    ids = bb_ref[:, 0:1].astype(jnp.int32)
    iota = lax.broadcasted_iota(jnp.int32, (ROW_BLK, N_GRAPHS), 1)
    oh = jnp.where(ids == iota, 1.0, 0.0)
    dn = (((0,), (0,)), ((), ()))
    ps = lax.dot_general(oh, h, dn, preferred_element_type=_f32)
    pc = lax.dot_general(oh, jnp.ones((ROW_BLK, D), _f32), dn,
                         preferred_element_type=_f32)

    @pl.when(i == 0)
    def _():
        sums_ref[...] = jnp.zeros_like(sums_ref)
        cnts_ref[...] = jnp.zeros_like(cnts_ref)

    sums_ref[...] += ps
    cnts_ref[...] += pc

    @pl.when(i == GRID - 1)
    def _():
        pooled = sums_ref[...] / jnp.maximum(cnts_ref[...], 1.0)
        o_ref[...] = jnp.dot(pooled, w_ref[...],
                             preferred_element_type=_f32) + bl_ref[...]


def _row_spec(cols):
    return pl.BlockSpec((ROW_BLK, cols), lambda i: (i, 0))


def _acc_spec(cols):
    return pl.BlockSpec((2, ROW_BLK, cols), lambda i: (0, i, 0))


def _full_spec(shape):
    return pl.BlockSpec(shape, lambda i: tuple(0 for _ in shape))


_KMM = pl.pallas_call(
    _kmm_body,
    grid=(GRID,),
    in_specs=[_row_spec(D), _full_spec((D, D))],
    out_specs=_row_spec(D),
    out_shape=jax.ShapeDtypeStruct((N, D), _f32),
)

_KSCALE = pl.pallas_call(
    _kscale_body,
    grid=(GRID,),
    in_specs=[_row_spec(D), _row_spec(DEGW), _row_spec(DEGW)],
    out_specs=_row_spec(D),
    out_shape=jax.ShapeDtypeStruct((N, D), _f32),
)

_KB = pl.pallas_call(
    _kb_body,
    grid=(GRID,),
    in_specs=[_row_spec(D), _row_spec(D), _row_spec(D),
              _row_spec(DEGW), _row_spec(DEGW),
              _full_spec((1, D)), _full_spec((D, D))],
    out_specs=_row_spec(D),
    out_shape=jax.ShapeDtypeStruct((N, D), _f32),
)

_KC = pl.pallas_call(
    _kc_body,
    grid=(GRID,),
    in_specs=[_row_spec(D), _row_spec(D), _row_spec(D),
              _row_spec(DEGW), _row_spec(DEGW),
              _full_spec((1, D)), _row_spec(8),
              _full_spec((D, N_CLASSES)), _full_spec((1, N_CLASSES))],
    out_specs=_full_spec((N_GRAPHS, N_CLASSES)),
    out_shape=jax.ShapeDtypeStruct((N_GRAPHS, N_CLASSES), _f32),
    scratch_shapes=[pltpu.VMEM((N_GRAPHS, D), _f32),
                    pltpu.VMEM((N_GRAPHS, D), _f32)],
)


def kernel(x, e, b, W1, b1, W2, b2, Wlin, blin):
    src = e[0].astype(jnp.int32)
    dst = e[1].astype(jnp.int32)
    pad = E_PAD - E
    pad_src = jnp.arange(pad, dtype=jnp.int32) % N
    pad_dst = N + jnp.arange(pad, dtype=jnp.int32) % (N_PAD - N)
    src_p = jnp.concatenate([src, pad_src]).reshape(NW, NCHUNKS, CHUNK)
    dst_f = jnp.concatenate([dst, pad_dst])

    deg_k, conv_k = _get_sc_kernels()
    mm1 = _KMM(x, W1)
    degp = deg_k(dst_f)
    d0 = degp[0, :N]
    d1 = degp[1, :N]

    g1 = _KSCALE(mm1, d0, d1)
    accA = conv_k(src_p, dst_f, g1)
    g2 = _KB(accA[0, :N], accA[1, :N], g1, d0, d1, b1.reshape(1, D), W2)
    accB = conv_k(src_p, dst_f, g2)

    bb = jnp.broadcast_to(b.astype(_f32)[:, None], (N, 8))
    return _KC(accB[0, :N], accB[1, :N], g2, d0, d1,
               b2.reshape(1, D), bb, Wlin, blin.reshape(1, N_CLASSES))

# --- scband reference (transcript-rebuilt; emitter-appended) ---
"""Pipeline reference for scband-gcngraph-73332271612104 (READ-ONLY COPY).

The authoritative reference and input builder live on the scoring server;
editing this copy changes nothing except your own understanding.
"""

import jax, jax.numpy as jnp
import numpy as np

N = 10000
E = 320000
D_IN = 128
D_HID = 128
N_CLASSES = 10
N_GRAPHS = 64


def setup_inputs(seed: int = 0) -> dict:
    key = jax.random.key(seed)
    ks = jax.random.split(key, 10)
    x = jax.random.normal(ks[0], (N, D_IN), dtype=jnp.float32)
    e = jax.random.randint(ks[1], (2, E), 0, N, dtype=jnp.int64)
    b = jnp.sort(jax.random.randint(ks[2], (N,), 0, N_GRAPHS, dtype=jnp.int64))
    s1 = 1.0 / np.sqrt(D_IN)
    s2 = 1.0 / np.sqrt(D_HID)
    W1 = jax.random.uniform(ks[3], (D_IN, D_HID), dtype=jnp.float32, minval=-s1, maxval=s1)
    b1 = jnp.zeros((D_HID,), dtype=jnp.float32)
    W2 = jax.random.uniform(ks[4], (D_HID, D_HID), dtype=jnp.float32, minval=-s2, maxval=s2)
    b2 = jnp.zeros((D_HID,), dtype=jnp.float32)
    Wlin = jax.random.uniform(ks[5], (D_HID, N_CLASSES), dtype=jnp.float32, minval=-s2, maxval=s2)
    blin = jnp.zeros((N_CLASSES,), dtype=jnp.float32)
    return {"x": x, "e": e, "b": b, "W1": W1, "b1": b1, "W2": W2, "b2": b2, "Wlin": Wlin, "blin": blin}


def _gcn_conv(x, edge_index, W, bias):
    # PyG GCNConv: add self-loops, symmetric normalization, then scatter-add.
    n = x.shape[0]
    src = edge_index[0]
    dst = edge_index[1]
    loop = jnp.arange(n, dtype=src.dtype)
    src = jnp.concatenate([src, loop])
    dst = jnp.concatenate([dst, loop])
    deg = jax.ops.segment_sum(jnp.ones_like(dst, dtype=x.dtype), dst, num_segments=n)
    dinv = jnp.where(deg > 0, deg ** -0.5, 0.0)
    norm = dinv[src] * dinv[dst]
    h = x @ W
    msg = jnp.take(h, src, axis=0) * norm[:, None]
    out = jax.ops.segment_sum(msg, dst, num_segments=n)
    return out + bias


def _global_mean_pool(h, batch, num_graphs):
    sums = jax.ops.segment_sum(h, batch, num_segments=num_graphs)
    counts = jax.ops.segment_sum(jnp.ones((h.shape[0],), dtype=h.dtype), batch, num_segments=num_graphs)
    return sums / jnp.clip(counts, 1.0)[:, None]


def reference(x, e, b, W1, b1, W2, b2, Wlin, blin):
    h = jax.nn.relu(_gcn_conv(x, e, W1, b1))
    h = jax.nn.relu(_gcn_conv(h, e, W2, b2))
    pooled = _global_mean_pool(h, b, N_GRAPHS)
    return pooled @ Wlin + blin

if __name__ == "__main__":
    import jax
    _d = setup_inputs()
    print(jax.jit(kernel)(*tuple(_d.values())))

</pallas_src>

<mosaic_0001>
#map = affine_map<(d0, d1) -> (0)>
#map1 = affine_map<(d0, d1) -> (0, 0, 0)>
module attributes {stable_mosaic.version = 14 : i64} {
  func.func @_deg_body(%arg0: i32, %arg1: i32, %arg2: memref<327680xi32, #tpu.memory_space<hbm>>, %arg3: memref<2x10240x16xf32, #tpu.memory_space<hbm>>, %arg4: memref<10240x16xf32, #tpu.memory_space<vmem_shared>>, %arg5: memref<16x16xf32, #tpu.memory_space<vmem>>, %arg6: memref<128x16xf32, #tpu.memory_space<vmem>>, %arg7: memref<128xi32, #tpu.memory_space<vmem>>, %arg8: memref<128xi32, #tpu.memory_space<vmem>>, %arg9: memref<!tpu.dma_semaphore, #tpu.memory_space<semaphore_mem>>, %arg10: memref<!tpu.dma_semaphore, #tpu.memory_space<semaphore_mem>>) attributes {dimension_semantics = [#tpu.dimension_semantics<core_parallel>, #tpu.dimension_semantics<subcore_parallel>], iteration_bounds = array<i64: 2, 16>, scalar_prefetch = 0 : i64, scratch_operands = 7 : i64, tpu.core_type = #tpu.core_type<sc_vector_subcore>, window_params = [{transform_indices = #map}, {transform_indices = #map1}]} {
    %mul3A = arith.constant 16 : i32
    %mul3A_0 = arith.muli %arg0, %mul3A : i32
    %add3A = arith.addi %mul3A_0, %arg1 : i32
    %mul3A_1 = arith.constant 640 : i32
    %mul3A_2 = arith.muli %arg1, %mul3A_1 : i32
    %scan3A = arith.constant 0 : i32
    %scan3A_3 = arith.constant 0 : i32
    %scan3A_4 = arith.constant 16 : i32
    %scan3A_5 = arith.addi %scan3A_3, %scan3A_4 : i32
    %scan3A_6 = arith.constant 1 : i32
    scf.for %scan3A_34 = %scan3A_3 to %scan3A_5 step %scan3A_6  : i32 {
      %broadcast_in_dim3A = arith.constant 0.000000e+00 : f32
      %broadcast_in_dim3A_35 = vector.broadcast %broadcast_in_dim3A : f32 to vector<16xf32>
      %swap3A = arith.index_cast %scan3A_34 : i32 to index
      %swap3A_36 = arith.constant 0 : index
      %swap3A_37 = tpu.vector_load %arg5[%swap3A, %swap3A_36] {strides = array<i32>} : memref<16x16xf32, #tpu.memory_space<vmem>>, vector<1x16xf32>,
      %swap3A_38 = vector.shape_cast %swap3A_37 : vector<1x16xf32> to vector<16xf32>
      %swap3A_39 = vector.shape_cast %broadcast_in_dim3A_35 : vector<16xf32> to vector<1x16xf32>
      tpu.vector_store %arg5[%swap3A, %swap3A_36], %swap3A_39 {strides = array<i32>} : memref<16x16xf32, #tpu.memory_space<vmem>>, vector<1x16xf32>,
    }
    %scan3A_7 = arith.constant 16 : i32
    %scan3A_8 = arith.constant 0 : i32
    %scan3A_9 = arith.constant 0 : i32
    %scan3A_10 = arith.constant 40 : i32
    %scan3A_11 = arith.addi %scan3A_9, %scan3A_10 : i32
    %scan3A_12 = arith.constant 1 : i32
    scf.for %scan3A_34 = %scan3A_9 to %scan3A_11 step %scan3A_12  : i32 {
      %mul3A_35 = arith.constant 16 : i32
      %mul3A_36 = arith.muli %scan3A_34, %mul3A_35 : i32
      %add3A_37 = arith.addi %mul3A_2, %mul3A_36 : i32
      "tpu.region"() ({
        %run_scoped3A = tpu.sem_alloc : memref<!tpu.dma_semaphore, #tpu.memory_space<semaphore_mem>>
        %dma_start3A_38 = arith.constant 0 : i32
        %dma_start3A_39 = tpu.memref_slice %arg4[%add3A_37, %dma_start3A_38] : memref<10240x16xf32, #tpu.memory_space<vmem_shared>> -> memref<16x16xf32, #tpu.memory_space<vmem_shared>>
        %dma_start3A_40 = arith.constant 0 : i32
        %dma_start3A_41 = tpu.memref_slice %arg4[%add3A_37, %dma_start3A_40] : memref<10240x16xf32, #tpu.memory_space<vmem_shared>> -> memref<16x16xf32, #tpu.memory_space<vmem_shared>>
        tpu.enqueue_dma source(%arg5 : memref<16x16xf32, #tpu.memory_space<vmem>>) target(%dma_start3A_41 : memref<16x16xf32, #tpu.memory_space<vmem_shared>>) target_semaphore(%run_scoped3A : memref<!tpu.dma_semaphore, #tpu.memory_space<semaphore_mem>>)
        %dma_wait3A = arith.constant 0 : i32
        %dma_wait3A_42 = tpu.memref_slice %arg4[%add3A_37, %dma_wait3A] : memref<10240x16xf32, #tpu.memory_space<vmem_shared>> -> memref<16x16xf32, #tpu.memory_space<vmem_shared>>
        %dma_wait3A_43 = arith.constant 0 : i32
        %dma_wait3A_44 = tpu.memref_slice %arg4[%add3A_37, %dma_wait3A_43] : memref<10240x16xf32, #tpu.memory_space<vmem_shared>> -> memref<16x16xf32, #tpu.memory_space<vmem_shared>>
        tpu.wait_dma2 semaphore(%run_scoped3A : memref<!tpu.dma_semaphore, #tpu.memory_space<semaphore_mem>>) src(%arg5 : memref<16x16xf32, #tpu.memory_space<vmem>>) dst(%dma_wait3A_44 : memref<16x16xf32, #tpu.memory_space<vmem_shared>>)
        tpu.yield
      }) : () -> ()
    }
    %scan3A_13 = arith.constant 40 : i32
    %scan3A_14 = arith.constant 0 : i32
    %scan3A_15 = arith.constant 0 : i32
    %scan3A_16 = arith.constant 128 : i32
    %scan3A_17 = arith.addi %scan3A_15, %scan3A_16 : i32
    %scan3A_18 = arith.constant 1 : i32
    scf.for %scan3A_34 = %scan3A_15 to %scan3A_17 step %scan3A_18  : i32 {
      %broadcast_in_dim3A = arith.constant 1.000000e+00 : f32
      %broadcast_in_dim3A_35 = vector.broadcast %broadcast_in_dim3A : f32 to vector<16xf32>
      %swap3A = arith.index_cast %scan3A_34 : i32 to index
      %swap3A_36 = arith.constant 0 : index
      %swap3A_37 = tpu.vector_load %arg6[%swap3A, %swap3A_36] {strides = array<i32>} : memref<128x16xf32, #tpu.memory_space<vmem>>, vector<1x16xf32>,
      %swap3A_38 = vector.shape_cast %swap3A_37 : vector<1x16xf32> to vector<16xf32>
      %swap3A_39 = vector.shape_cast %broadcast_in_dim3A_35 : vector<16xf32> to vector<1x16xf32>
      tpu.vector_store %arg6[%swap3A, %swap3A_36], %swap3A_39 {strides = array<i32>} : memref<128x16xf32, #tpu.memory_space<vmem>>, vector<1x16xf32>,
    }
    %scan3A_19 = arith.constant 128 : i32
    %barrier3A = arith.constant 0 : index
    tpu.barrier barrier_id(%barrier3A)
    %mul3A_20 = arith.constant 10240 : i32
    %mul3A_21 = arith.muli %add3A, %mul3A_20 : i32
    %dma_start3A = tpu.memref_slice %arg2[%mul3A_21] : memref<327680xi32, #tpu.memory_space<hbm>> -> memref<128xi32, #tpu.memory_space<hbm>>
    %dma_start3A_22 = tpu.memref_slice %arg2[%mul3A_21] : memref<327680xi32, #tpu.memory_space<hbm>> -> memref<128xi32, #tpu.memory_space<hbm>>
    tpu.enqueue_dma source(%dma_start3A_22 : memref<128xi32, #tpu.memory_space<hbm>>) target(%arg7 : memref<128xi32, #tpu.memory_space<vmem>>) target_semaphore(%arg9 : memref<!tpu.dma_semaphore, #tpu.memory_space<semaphore_mem>>)
    %add3A_23 = arith.constant 128 : i32
    %add3A_24 = arith.addi %mul3A_21, %add3A_23 : i32
    %dma_start3A_25 = tpu.memref_slice %arg2[%add3A_24] : memref<327680xi32, #tpu.memory_space<hbm>> -> memref<128xi32, #tpu.memory_space<hbm>>
    %dma_start3A_26 = tpu.memref_slice %arg2[%add3A_24] : memref<327680xi32, #tpu.memory_space<hbm>> -> memref<128xi32, #tpu.memory_space<hbm>>
    tpu.enqueue_dma source(%dma_start3A_26 : memref<128xi32, #tpu.memory_space<hbm>>) target(%arg8 : memref<128xi32, #tpu.memory_space<vmem>>) target_semaphore(%arg10 : memref<!tpu.dma_semaphore, #tpu.memory_space<semaphore_mem>>)
    %scan3A_27 = arith.constant 0 : i32
    %scan3A_28 = arith.constant 0 : i32
    %scan3A_29 = arith.constant 40 : i32
    %scan3A_30 = arith.addi %scan3A_28, %scan3A_29 : i32
    %scan3A_31 = arith.constant 1 : i32
    scf.for %scan3A_34 = %scan3A_28 to %scan3A_30 step %scan3A_31  : i32 {
      %mul3A_35 = arith.constant 2 : i32
      %mul3A_36 = arith.muli %mul3A_35, %scan3A_34 : i32
      %dma_wait3A = tpu.memref_slice %arg2[%mul3A_21] : memref<327680xi32, #tpu.memory_space<hbm>> -> memref<128xi32, #tpu.memory_space<hbm>>
      %dma_wait3A_37 = tpu.memref_slice %arg2[%mul3A_21] : memref<327680xi32, #tpu.memory_space<hbm>> -> memref<128xi32, #tpu.memory_space<hbm>>
      tpu.wait_dma2 semaphore(%arg9 : memref<!tpu.dma_semaphore, #tpu.memory_space<semaphore_mem>>) src(%dma_wait3A_37 : memref<128xi32, #tpu.memory_space<hbm>>) dst(%arg7 : memref<128xi32, #tpu.memory_space<vmem>>)
      "tpu.region"() ({
        %run_scoped3A = tpu.sem_alloc : memref<!tpu.dma_semaphore, #tpu.memory_space<semaphore_mem>>
        %dma_start3A_51 = arith.constant 0 : i32
        %dma_start3A_52 = arith.constant 0 : i32
        %dma_start3A_53 = tpu.memref_slice %arg4[%dma_start3A_51, %dma_start3A_52] : memref<10240x16xf32, #tpu.memory_space<vmem_shared>> -> memref<10240x16xf32, #tpu.memory_space<vmem_shared>>
        tpu.enqueue_indirect_dma source(%arg6 : memref<128x16xf32, #tpu.memory_space<vmem>>) target(%dma_start3A_53 : memref<10240x16xf32, #tpu.memory_space<vmem_shared>>) offsets(%arg7 : memref<128xi32, #tpu.memory_space<vmem>>) semaphore(%run_scoped3A : memref<!tpu.dma_semaphore, #tpu.memory_space<semaphore_mem>>) {add = true}
        %dma_wait3A_54 = arith.constant 0 : i32
        %dma_wait3A_55 = arith.constant 0 : i32
        %dma_wait3A_56 = tpu.memref_slice %arg4[%dma_wait3A_54, %dma_wait3A_55] : memref<10240x16xf32, #tpu.memory_space<vmem_shared>> -> memref<10240x16xf32, #tpu.memory_space<vmem_shared>>
        tpu.wait_indirect_dma semaphore(%run_scoped3A : memref<!tpu.dma_semaphore, #tpu.memory_space<semaphore_mem>>) src(%arg6 : memref<128x16xf32, #tpu.memory_space<vmem>>) dst(%dma_wait3A_56 : memref<10240x16xf32, #tpu.memory_space<vmem_shared>>)
        tpu.yield
      }) : () -> ()
      %lt3A = arith.constant 78 : i32
      %lt3A_38 = arith.cmpi slt, %mul3A_36, %lt3A : i32
      %convert_element_type3A = arith.extui %lt3A_38 : i1 to i32
      %cond3A = arith.constant 0 : i32
      %cond3A_39 = arith.cmpi ne, %convert_element_type3A, %cond3A : i32
      scf.if %cond3A_39 {
        %add3A_51 = arith.constant 2 : i32
        %add3A_52 = arith.addi %mul3A_36, %add3A_51 : i32
        %mul3A_53 = arith.constant 128 : i32
        %mul3A_54 = arith.muli %add3A_52, %mul3A_53 : i32
        %add3A_55 = arith.addi %mul3A_21, %mul3A_54 : i32
        %dma_start3A_56 = tpu.memref_slice %arg2[%add3A_55] : memref<327680xi32, #tpu.memory_space<hbm>> -> memref<128xi32, #tpu.memory_space<hbm>>
        %dma_start3A_57 = tpu.memref_slice %arg2[%add3A_55] : memref<327680xi32, #tpu.memory_space<hbm>> -> memref<128xi32, #tpu.memory_space<hbm>>
        tpu.enqueue_dma source(%dma_start3A_57 : memref<128xi32, #tpu.memory_space<hbm>>) target(%arg7 : memref<128xi32, #tpu.memory_space<vmem>>) target_semaphore(%arg9 : memref<!tpu.dma_semaphore, #tpu.memory_space<semaphore_mem>>)
      } else {
      }
      %mul3A_40 = arith.constant 2 : i32
      %mul3A_41 = arith.muli %mul3A_40, %scan3A_34 : i32
      %add3A_42 = arith.constant 1 : i32
      %add3A_43 = arith.addi %mul3A_41, %add3A_42 : i32
      %dma_wait3A_44 = tpu.memref_slice %arg2[%mul3A_21] : memref<327680xi32, #tpu.memory_space<hbm>> -> memref<128xi32, #tpu.memory_space<hbm>>
      %dma_wait3A_45 = tpu.memref_slice %arg2[%mul3A_21] : memref<327680xi32, #tpu.memory_space<hbm>> -> memref<128xi32, #tpu.memory_space<hbm>>
      tpu.wait_dma2 semaphore(%arg10 : memref<!tpu.dma_semaphore, #tpu.memory_space<semaphore_mem>>) src(%dma_wait3A_45 : memref<128xi32, #tpu.memory_space<hbm>>) dst(%arg8 : memref<128xi32, #tpu.memory_space<vmem>>)
      "tpu.region"() ({
        %run_scoped3A = tpu.sem_alloc : memref<!tpu.dma_semaphore, #tpu.memory_space<semaphore_mem>>
        %dma_start3A_51 = arith.constant 0 : i32
        %dma_start3A_52 = arith.constant 0 : i32
        %dma_start3A_53 = tpu.memref_slice %arg4[%dma_start3A_51, %dma_start3A_52] : memref<10240x16xf32, #tpu.memory_space<vmem_shared>> -> memref<10240x16xf32, #tpu.memory_space<vmem_shared>>
        tpu.enqueue_indirect_dma source(%arg6 : memref<128x16xf32, #tpu.memory_space<vmem>>) target(%dma_start3A_53 : memref<10240x16xf32, #tpu.memory_space<vmem_shared>>) offsets(%arg8 : memref<128xi32, #tpu.memory_space<vmem>>) semaphore(%run_scoped3A : memref<!tpu.dma_semaphore, #tpu.memory_space<semaphore_mem>>) {add = true}
        %dma_wait3A_54 = arith.constant 0 : i32
        %dma_wait3A_55 = arith.constant 0 : i32
        %dma_wait3A_56 = tpu.memref_slice %arg4[%dma_wait3A_54, %dma_wait3A_55] : memref<10240x16xf32, #tpu.memory_space<vmem_shared>> -> memref<10240x16xf32, #tpu.memory_space<vmem_shared>>
        tpu.wait_indirect_dma semaphore(%run_scoped3A : memref<!tpu.dma_semaphore, #tpu.memory_space<semaphore_mem>>) src(%arg6 : memref<128x16xf32, #tpu.memory_space<vmem>>) dst(%dma_wait3A_56 : memref<10240x16xf32, #tpu.memory_space<vmem_shared>>)
        tpu.yield
      }) : () -> ()
      %lt3A_46 = arith.constant 78 : i32
      %lt3A_47 = arith.cmpi slt, %add3A_43, %lt3A_46 : i32
      %convert_element_type3A_48 = arith.extui %lt3A_47 : i1 to i32
      %cond3A_49 = arith.constant 0 : i32
      %cond3A_50 = arith.cmpi ne, %convert_element_type3A_48, %cond3A_49 : i32
      scf.if %cond3A_50 {
        %add3A_51 = arith.constant 2 : i32
        %add3A_52 = arith.addi %add3A_43, %add3A_51 : i32
        %mul3A_53 = arith.constant 128 : i32
        %mul3A_54 = arith.muli %add3A_52, %mul3A_53 : i32
        %add3A_55 = arith.addi %mul3A_21, %mul3A_54 : i32
        %dma_start3A_56 = tpu.memref_slice %arg2[%add3A_55] : memref<327680xi32, #tpu.memory_space<hbm>> -> memref<128xi32, #tpu.memory_space<hbm>>
        %dma_start3A_57 = tpu.memref_slice %arg2[%add3A_55] : memref<327680xi32, #tpu.memory_space<hbm>> -> memref<128xi32, #tpu.memory_space<hbm>>
        tpu.enqueue_dma source(%dma_start3A_57 : memref<128xi32, #tpu.memory_space<hbm>>) target(%arg8 : memref<128xi32, #tpu.memory_space<vmem>>) target_semaphore(%arg10 : memref<!tpu.dma_semaphore, #tpu.memory_space<semaphore_mem>>)
      } else {
      }
    }
    %scan3A_32 = arith.constant 40 : i32
    %barrier3A_33 = arith.constant 0 : index
    tpu.barrier barrier_id(%barrier3A_33)
    "tpu.region"() ({
      %run_scoped3A = tpu.sem_alloc : memref<!tpu.dma_semaphore, #tpu.memory_space<semaphore_mem>>
      %dma_start3A_34 = arith.constant 0 : i32
      %dma_start3A_35 = tpu.memref_slice %arg3[%arg0, %mul3A_2, %dma_start3A_34] : memref<2x10240x16xf32, #tpu.memory_space<hbm>> -> memref<1x640x16xf32, #tpu.memory_space<hbm>>
      %dma_start3A_36 = tpu.memref_squeeze %dma_start3A_35 : memref<1x640x16xf32, #tpu.memory_space<hbm>> -> memref<640x16xf32, #tpu.memory_space<hbm>>
      %dma_start3A_37 = arith.constant 0 : i32
      %dma_start3A_38 = tpu.memref_slice %arg4[%mul3A_2, %dma_start3A_37] : memref<10240x16xf32, #tpu.memory_space<vmem_shared>> -> memref<640x16xf32, #tpu.memory_space<vmem_shared>>
      tpu.enqueue_dma source(%dma_start3A_38 : memref<640x16xf32, #tpu.memory_space<vmem_shared>>) target(%dma_start3A_36 : memref<640x16xf32, #tpu.memory_space<hbm>>) target_semaphore(%run_scoped3A : memref<!tpu.dma_semaphore, #tpu.memory_space<semaphore_mem>>)
      %dma_wait3A = arith.constant 0 : i32
      %dma_wait3A_39 = tpu.memref_slice %arg3[%arg0, %mul3A_2, %dma_wait3A] : memref<2x10240x16xf32, #tpu.memory_space<hbm>> -> memref<1x640x16xf32, #tpu.memory_space<hbm>>
      %dma_wait3A_40 = tpu.memref_squeeze %dma_wait3A_39 : memref<1x640x16xf32, #tpu.memory_space<hbm>> -> memref<640x16xf32, #tpu.memory_space<hbm>>
      %dma_wait3A_41 = arith.constant 0 : i32
      %dma_wait3A_42 = tpu.memref_slice %arg4[%mul3A_2, %dma_wait3A_41] : memref<10240x16xf32, #tpu.memory_space<vmem_shared>> -> memref<640x16xf32, #tpu.memory_space<vmem_shared>>
      tpu.wait_dma2 semaphore(%run_scoped3A : memref<!tpu.dma_semaphore, #tpu.memory_space<semaphore_mem>>) src(%dma_wait3A_42 : memref<640x16xf32, #tpu.memory_space<vmem_shared>>) dst(%dma_wait3A_40 : memref<640x16xf32, #tpu.memory_space<hbm>>)
      tpu.yield
    }) : () -> ()
    return
  }
}

#map = affine_map<(d0, d1) -> (0, 0, 0)>
#map1 = affine_map<(d0, d1) -> (0)>
#map2 = affine_map<(d0, d1) -> (0, 0)>
module attributes {stable_mosaic.version = 14 : i64} {
  func.func @_conv_body(%arg0: i32, %arg1: i32, %arg2: memref<32x80x128xi32, #tpu.memory_space<hbm>>, %arg3: memref<327680xi32, #tpu.memory_space<hbm>>, %arg4: memref<10000x128xf32, #tpu.memory_space<hbm>>, %arg5: memref<2x10240x128xf32, #tpu.memory_space<hbm>>, %arg6: memref<10240x128xf32, #tpu.memory_space<vmem_shared>>, %arg7: memref<16x128xf32, #tpu.memory_space<vmem>>, %arg8: memref<80x128xi32, #tpu.memory_space<vmem>>, %arg9: memref<128xi32, #tpu.memory_space<vmem>>, %arg10: memref<128xi32, #tpu.memory_space<vmem>>, %arg11: memref<128x128xf32, #tpu.memory_space<vmem>>, %arg12: memref<128x128xf32, #tpu.memory_space<vmem>>, %arg13: memref<!tpu.dma_semaphore, #tpu.memory_space<semaphore_mem>>, %arg14: memref<!tpu.dma_semaphore, #tpu.memory_space<semaphore_mem>>, %arg15: memref<!tpu.dma_semaphore, #tpu.memory_space<semaphore_mem>>, %arg16: memref<!tpu.dma_semaphore, #tpu.memory_space<semaphore_mem>>) attributes {dimension_semantics = [#tpu.dimension_semantics<core_parallel>, #tpu.dimension_semantics<subcore_parallel>], iteration_bounds = array<i64: 2, 16>, scalar_prefetch = 0 : i64, scratch_operands = 11 : i64, tpu.core_type = #tpu.core_type<sc_vector_subcore>, window_params = [{transform_indices = #map}, {transform_indices = #map1}, {transform_indices = #map2}, {transform_indices = #map}]} {
    %mul3A = arith.constant 16 : i32
    %mul3A_0 = arith.muli %arg0, %mul3A : i32
    %add3A = arith.addi %mul3A_0, %arg1 : i32
    %mul3A_1 = arith.constant 640 : i32
    %mul3A_2 = arith.muli %arg1, %mul3A_1 : i32
    %scan3A = arith.constant 0 : i32
    %scan3A_3 = arith.constant 0 : i32
    %scan3A_4 = arith.constant 16 : i32
    %scan3A_5 = arith.addi %scan3A_3, %scan3A_4 : i32
    %scan3A_6 = arith.constant 1 : i32
    scf.for %scan3A_42 = %scan3A_3 to %scan3A_5 step %scan3A_6  : i32 {
      %broadcast_in_dim3A = arith.constant 0.000000e+00 : f32
      %broadcast_in_dim3A_43 = vector.broadcast %broadcast_in_dim3A : f32 to vector<16xf32>
      %swap3A = arith.index_cast %scan3A_42 : i32 to index
      %swap3A_44 = arith.constant 0 : index
      %swap3A_45 = tpu.vector_load %arg7[%swap3A, %swap3A_44] {strides = array<i32>} : memref<16x128xf32, #tpu.memory_space<vmem>>, vector<1x16xf32>,
      %swap3A_46 = vector.shape_cast %swap3A_45 : vector<1x16xf32> to vector<16xf32>
      %swap3A_47 = vector.shape_cast %broadcast_in_dim3A_43 : vector<16xf32> to vector<1x16xf32>
      tpu.vector_store %arg7[%swap3A, %swap3A_44], %swap3A_47 {strides = array<i32>} : memref<16x128xf32, #tpu.memory_space<vmem>>, vector<1x16xf32>,
      %broadcast_in_dim3A_48 = arith.constant 0.000000e+00 : f32
      %broadcast_in_dim3A_49 = vector.broadcast %broadcast_in_dim3A_48 : f32 to vector<16xf32>
      %swap3A_50 = arith.index_cast %scan3A_42 : i32 to index
      %swap3A_51 = arith.constant 16 : index
      %swap3A_52 = tpu.vector_load %arg7[%swap3A_50, %swap3A_51] {strides = array<i32>} : memref<16x128xf32, #tpu.memory_space<vmem>>, vector<1x16xf32>,
      %swap3A_53 = vector.shape_cast %swap3A_52 : vector<1x16xf32> to vector<16xf32>
      %swap3A_54 = vector.shape_cast %broadcast_in_dim3A_49 : vector<16xf32> to vector<1x16xf32>
      tpu.vector_store %arg7[%swap3A_50, %swap3A_51], %swap3A_54 {strides = array<i32>} : memref<16x128xf32, #tpu.memory_space<vmem>>, vector<1x16xf32>,
      %broadcast_in_dim3A_55 = arith.constant 0.000000e+00 : f32
      %broadcast_in_dim3A_56 = vector.broadcast %broadcast_in_dim3A_55 : f32 to vector<16xf32>
      %swap3A_57 = arith.index_cast %scan3A_42 : i32 to index
      %swap3A_58 = arith.constant 32 : index
      %swap3A_59 = tpu.vector_load %arg7[%swap3A_57, %swap3A_58] {strides = array<i32>} : memref<16x128xf32, #tpu.memory_space<vmem>>, vector<1x16xf32>,
      %swap3A_60 = vector.shape_cast %swap3A_59 : vector<1x16xf32> to vector<16xf32>
      %swap3A_61 = vector.shape_cast %broadcast_in_dim3A_56 : vector<16xf32> to vector<1x16xf32>
      tpu.vector_store %arg7[%swap3A_57, %swap3A_58], %swap3A_61 {strides = array<i32>} : memref<16x128xf32, #tpu.memory_space<vmem>>, vector<1x16xf32>,
      %broadcast_in_dim3A_62 = arith.constant 0.000000e+00 : f32
      %broadcast_in_dim3A_63 = vector.broadcast %broadcast_in_dim3A_62 : f32 to vector<16xf32>
      %swap3A_64 = arith.index_cast %scan3A_42 : i32 to index
      %swap3A_65 = arith.constant 48 : index
      %swap3A_66 = tpu.vector_load %arg7[%swap3A_64, %swap3A_65] {strides = array<i32>} : memref<16x128xf32, #tpu.memory_space<vmem>>, vector<1x16xf32>,
      %swap3A_67 = vector.shape_cast %swap3A_66 : vector<1x16xf32> to vector<16xf32>
      %swap3A_68 = vector.shape_cast %broadcast_in_dim3A_63 : vector<16xf32> to vector<1x16xf32>
      tpu.vector_store %arg7[%swap3A_64, %swap3A_65], %swap3A_68 {strides = array<i32>} : memref<16x128xf32, #tpu.memory_space<vmem>>, vector<1x16xf32>,
      %broadcast_in_dim3A_69 = arith.constant 0.000000e+00 : f32
      %broadcast_in_dim3A_70 = vector.broadcast %broadcast_in_dim3A_69 : f32 to vector<16xf32>
      %swap3A_71 = arith.index_cast %scan3A_42 : i32 to index
      %swap3A_72 = arith.constant 64 : index
      %swap3A_73 = tpu.vector_load %arg7[%swap3A_71, %swap3A_72] {strides = array<i32>} : memref<16x128xf32, #tpu.memory_space<vmem>>, vector<1x16xf32>,
      %swap3A_74 = vector.shape_cast %swap3A_73 : vector<1x16xf32> to vector<16xf32>
      %swap3A_75 = vector.shape_cast %broadcast_in_dim3A_70 : vector<16xf32> to vector<1x16xf32>
      tpu.vector_store %arg7[%swap3A_71, %swap3A_72], %swap3A_75 {strides = array<i32>} : memref<16x128xf32, #tpu.memory_space<vmem>>, vector<1x16xf32>,
      %broadcast_in_dim3A_76 = arith.constant 0.000000e+00 : f32
      %broadcast_in_dim3A_77 = vector.broadcast %broadcast_in_dim3A_76 : f32 to vector<16xf32>
      %swap3A_78 = arith.index_cast %scan3A_42 : i32 to index
      %swap3A_79 = arith.constant 80 : index
      %swap3A_80 = tpu.vector_load %arg7[%swap3A_78, %swap3A_79] {strides = array<i32>} : memref<16x128xf32, #tpu.memory_space<vmem>>, vector<1x16xf32>,
      %swap3A_81 = vector.shape_cast %swap3A_80 : vector<1x16xf32> to vector<16xf32>
      %swap3A_82 = vector.shape_cast %broadcast_in_dim3A_77 : vector<16xf32> to vector<1x16xf32>
      tpu.vector_store %arg7[%swap3A_78, %swap3A_79], %swap3A_82 {strides = array<i32>} : memref<16x128xf32, #tpu.memory_space<vmem>>, vector<1x16xf32>,
      %broadcast_in_dim3A_83 = arith.constant 0.000000e+00 : f32
      %broadcast_in_dim3A_84 = vector.broadcast %broadcast_in_dim3A_83 : f32 to vector<16xf32>
      %swap3A_85 = arith.index_cast %scan3A_42 : i32 to index
      %swap3A_86 = arith.constant 96 : index
      %swap3A_87 = tpu.vector_load %arg7[%swap3A_85, %swap3A_86] {strides = array<i32>} : memref<16x128xf32, #tpu.memory_space<vmem>>, vector<1x16xf32>,
      %swap3A_88 = vector.shape_cast %swap3A_87 : vector<1x16xf32> to vector<16xf32>
      %swap3A_89 = vector.shape_cast %broadcast_in_dim3A_84 : vector<16xf32> to vector<1x16xf32>
      tpu.vector_store %arg7[%swap3A_85, %swap3A_86], %swap3A_89 {strides = array<i32>} : memref<16x128xf32, #tpu.memory_space<vmem>>, vector<1x16xf32>,
      %broadcast_in_dim3A_90 = arith.constant 0.000000e+00 : f32
      %broadcast_in_dim3A_91 = vector.broadcast %broadcast_in_dim3A_90 : f32 to vector<16xf32>
      %swap3A_92 = arith.index_cast %scan3A_42 : i32 to index
      %swap3A_93 = arith.constant 112 : index
      %swap3A_94 = tpu.vector_load %arg7[%swap3A_92, %swap3A_93] {strides = array<i32>} : memref<16x128xf32, #tpu.memory_space<vmem>>, vector<1x16xf32>,
      %swap3A_95 = vector.shape_cast %swap3A_94 : vector<1x16xf32> to vector<16xf32>
      %swap3A_96 = vector.shape_cast %broadcast_in_dim3A_91 : vector<16xf32> to vector<1x16xf32>
      tpu.vector_store %arg7[%swap3A_92, %swap3A_93], %swap3A_96 {strides = array<i32>} : memref<16x128xf32, #tpu.memory_space<vmem>>, vector<1x16xf32>,
    }
    %scan3A_7 = arith.constant 16 : i32
    %scan3A_8 = arith.constant 0 : i32
    %scan3A_9 = arith.constant 0 : i32
    %scan3A_10 = arith.constant 40 : i32
    %scan3A_11 = arith.addi %scan3A_9, %scan3A_10 : i32
    %scan3A_12 = arith.constant 1 : i32
    scf.for %scan3A_42 = %scan3A_9 to %scan3A_11 step %scan3A_12  : i32 {
      %mul3A_43 = arith.constant 16 : i32
      %mul3A_44 = arith.muli %scan3A_42, %mul3A_43 : i32
      %add3A_45 = arith.addi %mul3A_2, %mul3A_44 : i32
      "tpu.region"() ({
        %run_scoped3A = tpu.sem_alloc : memref<!tpu.dma_semaphore, #tpu.memory_space<semaphore_mem>>
        %dma_start3A_46 = arith.constant 0 : i32
        %dma_start3A_47 = tpu.memref_slice %arg6[%add3A_45, %dma_start3A_46] : memref<10240x128xf32, #tpu.memory_space<vmem_shared>> -> memref<16x128xf32, #tpu.memory_space<vmem_shared>>
        %dma_start3A_48 = arith.constant 0 : i32
        %dma_start3A_49 = tpu.memref_slice %arg6[%add3A_45, %dma_start3A_48] : memref<10240x128xf32, #tpu.memory_space<vmem_shared>> -> memref<16x128xf32, #tpu.memory_space<vmem_shared>>
        tpu.enqueue_dma source(%arg7 : memref<16x128xf32, #tpu.memory_space<vmem>>) target(%dma_start3A_49 : memref<16x128xf32, #tpu.memory_space<vmem_shared>>) target_semaphore(%run_scoped3A : memref<!tpu.dma_semaphore, #tpu.memory_space<semaphore_mem>>)
        %dma_wait3A = arith.constant 0 : i32
        %dma_wait3A_50 = tpu.memref_slice %arg6[%add3A_45, %dma_wait3A] : memref<10240x128xf32, #tpu.memory_space<vmem_shared>> -> memref<16x128xf32, #tpu.memory_space<vmem_shared>>
        %dma_wait3A_51 = arith.constant 0 : i32
        %dma_wait3A_52 = tpu.memref_slice %arg6[%add3A_45, %dma_wait3A_51] : memref<10240x128xf32, #tpu.memory_space<vmem_shared>> -> memref<16x128xf32, #tpu.memory_space<vmem_shared>>
        tpu.wait_dma2 semaphore(%run_scoped3A : memref<!tpu.dma_semaphore, #tpu.memory_space<semaphore_mem>>) src(%arg7 : memref<16x128xf32, #tpu.memory_space<vmem>>) dst(%dma_wait3A_52 : memref<16x128xf32, #tpu.memory_space<vmem_shared>>)
        tpu.yield
      }) : () -> ()
    }
    %scan3A_13 = arith.constant 40 : i32
    "tpu.region"() ({
      %run_scoped3A = tpu.sem_alloc : memref<!tpu.dma_semaphore, #tpu.memory_space<semaphore_mem>>
      %dma_start3A_42 = arith.constant 0 : i32
      %dma_start3A_43 = arith.constant 0 : i32
      %dma_start3A_44 = tpu.memref_slice %arg2[%add3A, %dma_start3A_42, %dma_start3A_43] : memref<32x80x128xi32, #tpu.memory_space<hbm>> -> memref<1x80x128xi32, #tpu.memory_space<hbm>>
      %dma_start3A_45 = tpu.memref_squeeze %dma_start3A_44 : memref<1x80x128xi32, #tpu.memory_space<hbm>> -> memref<80x128xi32, #tpu.memory_space<hbm>>
      %dma_start3A_46 = arith.constant 0 : i32
      %dma_start3A_47 = arith.constant 0 : i32
      %dma_start3A_48 = tpu.memref_slice %arg2[%add3A, %dma_start3A_46, %dma_start3A_47] : memref<32x80x128xi32, #tpu.memory_space<hbm>> -> memref<1x80x128xi32, #tpu.memory_space<hbm>>
      %dma_start3A_49 = tpu.memref_squeeze %dma_start3A_48 : memref<1x80x128xi32, #tpu.memory_space<hbm>> -> memref<80x128xi32, #tpu.memory_space<hbm>>
      tpu.enqueue_dma source(%dma_start3A_49 : memref<80x128xi32, #tpu.memory_space<hbm>>) target(%arg8 : memref<80x128xi32, #tpu.memory_space<vmem>>) target_semaphore(%run_scoped3A : memref<!tpu.dma_semaphore, #tpu.memory_space<semaphore_mem>>)
      %dma_wait3A = arith.constant 0 : i32
      %dma_wait3A_50 = arith.constant 0 : i32
      %dma_wait3A_51 = tpu.memref_slice %arg2[%add3A, %dma_wait3A, %dma_wait3A_50] : memref<32x80x128xi32, #tpu.memory_space<hbm>> -> memref<1x80x128xi32, #tpu.memory_space<hbm>>
      %dma_wait3A_52 = tpu.memref_squeeze %dma_wait3A_51 : memref<1x80x128xi32, #tpu.memory_space<hbm>> -> memref<80x128xi32, #tpu.memory_space<hbm>>
      %dma_wait3A_53 = arith.constant 0 : i32
      %dma_wait3A_54 = arith.constant 0 : i32
      %dma_wait3A_55 = tpu.memref_slice %arg2[%add3A, %dma_wait3A_53, %dma_wait3A_54] : memref<32x80x128xi32, #tpu.memory_space<hbm>> -> memref<1x80x128xi32, #tpu.memory_space<hbm>>
      %dma_wait3A_56 = tpu.memref_squeeze %dma_wait3A_55 : memref<1x80x128xi32, #tpu.memory_space<hbm>> -> memref<80x128xi32, #tpu.memory_space<hbm>>
      tpu.wait_dma2 semaphore(%run_scoped3A : memref<!tpu.dma_semaphore, #tpu.memory_space<semaphore_mem>>) src(%dma_wait3A_56 : memref<80x128xi32, #tpu.memory_space<hbm>>) dst(%arg8 : memref<80x128xi32, #tpu.memory_space<vmem>>)
      tpu.yield
    }) : () -> ()
    %barrier3A = arith.constant 0 : index
    tpu.barrier barrier_id(%barrier3A)
    %mul3A_14 = arith.constant 10240 : i32
    %mul3A_15 = arith.muli %add3A, %mul3A_14 : i32
    %dma_start3A = tpu.memref_slice %arg3[%mul3A_15] : memref<327680xi32, #tpu.memory_space<hbm>> -> memref<128xi32, #tpu.memory_space<hbm>>
    %dma_start3A_16 = tpu.memref_slice %arg3[%mul3A_15] : memref<327680xi32, #tpu.memory_space<hbm>> -> memref<128xi32, #tpu.memory_space<hbm>>
    tpu.enqueue_dma source(%dma_start3A_16 : memref<128xi32, #tpu.memory_space<hbm>>) target(%arg9 : memref<128xi32, #tpu.memory_space<vmem>>) target_semaphore(%arg15 : memref<!tpu.dma_semaphore, #tpu.memory_space<semaphore_mem>>)
    %add3A_17 = arith.constant 128 : i32
    %add3A_18 = arith.addi %mul3A_15, %add3A_17 : i32
    %dma_start3A_19 = tpu.memref_slice %arg3[%add3A_18] : memref<327680xi32, #tpu.memory_space<hbm>> -> memref<128xi32, #tpu.memory_space<hbm>>
    %dma_start3A_20 = tpu.memref_slice %arg3[%add3A_18] : memref<327680xi32, #tpu.memory_space<hbm>> -> memref<128xi32, #tpu.memory_space<hbm>>
    tpu.enqueue_dma source(%dma_start3A_20 : memref<128xi32, #tpu.memory_space<hbm>>) target(%arg10 : memref<128xi32, #tpu.memory_space<vmem>>) target_semaphore(%arg16 : memref<!tpu.dma_semaphore, #tpu.memory_space<semaphore_mem>>)
    %dma_start3A_21 = arith.constant 0 : i32
    %dma_start3A_22 = arith.constant 0 : i32
    %dma_start3A_23 = tpu.memref_slice %arg8[%dma_start3A_21, %dma_start3A_22] : memref<80x128xi32, #tpu.memory_space<vmem>> -> memref<1x128xi32, #tpu.memory_space<vmem>>
    %dma_start3A_24 = tpu.memref_squeeze %dma_start3A_23 : memref<1x128xi32, #tpu.memory_space<vmem>> -> memref<128xi32, #tpu.memory_space<vmem>>
    %dma_start3A_25 = arith.constant 0 : i32
    %dma_start3A_26 = arith.constant 0 : i32
    %dma_start3A_27 = tpu.memref_slice %arg4[%dma_start3A_25, %dma_start3A_26] : memref<10000x128xf32, #tpu.memory_space<hbm>> -> memref<10000x128xf32, #tpu.memory_space<hbm>>
    tpu.enqueue_indirect_dma source(%dma_start3A_27 : memref<10000x128xf32, #tpu.memory_space<hbm>>) target(%arg11 : memref<128x128xf32, #tpu.memory_space<vmem>>) offsets(%dma_start3A_24 : memref<128xi32, #tpu.memory_space<vmem>>) semaphore(%arg13 : memref<!tpu.dma_semaphore, #tpu.memory_space<semaphore_mem>>)
    %dma_start3A_28 = arith.constant 1 : i32
    %dma_start3A_29 = arith.constant 0 : i32
    %dma_start3A_30 = tpu.memref_slice %arg8[%dma_start3A_28, %dma_start3A_29] : memref<80x128xi32, #tpu.memory_space<vmem>> -> memref<1x128xi32, #tpu.memory_space<vmem>>
    %dma_start3A_31 = tpu.memref_squeeze %dma_start3A_30 : memref<1x128xi32, #tpu.memory_space<vmem>> -> memref<128xi32, #tpu.memory_space<vmem>>
    %dma_start3A_32 = arith.constant 0 : i32
    %dma_start3A_33 = arith.constant 0 : i32
    %dma_start3A_34 = tpu.memref_slice %arg4[%dma_start3A_32, %dma_start3A_33] : memref<10000x128xf32, #tpu.memory_space<hbm>> -> memref<10000x128xf32, #tpu.memory_space<hbm>>
    tpu.enqueue_indirect_dma source(%dma_start3A_34 : memref<10000x128xf32, #tpu.memory_space<hbm>>) target(%arg12 : memref<128x128xf32, #tpu.memory_space<vmem>>) offsets(%dma_start3A_31 : memref<128xi32, #tpu.memory_space<vmem>>) semaphore(%arg14 : memref<!tpu.dma_semaphore, #tpu.memory_space<semaphore_mem>>)
    %scan3A_35 = arith.constant 0 : i32
    %scan3A_36 = arith.constant 0 : i32
    %scan3A_37 = arith.constant 40 : i32
    %scan3A_38 = arith.addi %scan3A_36, %scan3A_37 : i32
    %scan3A_39 = arith.constant 1 : i32
    scf.for %scan3A_42 = %scan3A_36 to %scan3A_38 step %scan3A_39  : i32 {
      %mul3A_43 = arith.constant 2 : i32
      %mul3A_44 = arith.muli %mul3A_43, %scan3A_42 : i32
      %dma_wait3A = arith.constant 0 : i32
      %dma_wait3A_45 = tpu.memref_slice %arg8[%mul3A_44, %dma_wait3A] : memref<80x128xi32, #tpu.memory_space<vmem>> -> memref<1x128xi32, #tpu.memory_space<vmem>>
      %dma_wait3A_46 = tpu.memref_squeeze %dma_wait3A_45 : memref<1x128xi32, #tpu.memory_space<vmem>> -> memref<128xi32, #tpu.memory_space<vmem>>
      %dma_wait3A_47 = arith.constant 0 : i32
      %dma_wait3A_48 = arith.constant 0 : i32
      %dma_wait3A_49 = tpu.memref_slice %arg4[%dma_wait3A_47, %dma_wait3A_48] : memref<10000x128xf32, #tpu.memory_space<hbm>> -> memref<10000x128xf32, #tpu.memory_space<hbm>>
      tpu.wait_indirect_dma semaphore(%arg13 : memref<!tpu.dma_semaphore, #tpu.memory_space<semaphore_mem>>) src(%dma_wait3A_49 : memref<10000x128xf32, #tpu.memory_space<hbm>>) dst(%arg11 : memref<128x128xf32, #tpu.memory_space<vmem>>)
      %dma_wait3A_50 = tpu.memref_slice %arg3[%mul3A_15] : memref<327680xi32, #tpu.memory_space<hbm>> -> memref<128xi32, #tpu.memory_space<hbm>>
      %dma_wait3A_51 = tpu.memref_slice %arg3[%mul3A_15] : memref<327680xi32, #tpu.memory_space<hbm>> -> memref<128xi32, #tpu.memory_space<hbm>>
      tpu.wait_dma2 semaphore(%arg15 : memref<!tpu.dma_semaphore, #tpu.memory_space<semaphore_mem>>) src(%dma_wait3A_51 : memref<128xi32, #tpu.memory_space<hbm>>) dst(%arg9 : memref<128xi32, #tpu.memory_space<vmem>>)
      "tpu.region"() ({
        %run_scoped3A = tpu.sem_alloc : memref<!tpu.dma_semaphore, #tpu.memory_space<semaphore_mem>>
        %dma_start3A_71 = arith.constant 0 : i32
        %dma_start3A_72 = arith.constant 0 : i32
        %dma_start3A_73 = tpu.memref_slice %arg6[%dma_start3A_71, %dma_start3A_72] : memref<10240x128xf32, #tpu.memory_space<vmem_shared>> -> memref<10240x128xf32, #tpu.memory_space<vmem_shared>>
        tpu.enqueue_indirect_dma source(%arg11 : memref<128x128xf32, #tpu.memory_space<vmem>>) target(%dma_start3A_73 : memref<10240x128xf32, #tpu.memory_space<vmem_shared>>) offsets(%arg9 : memref<128xi32, #tpu.memory_space<vmem>>) semaphore(%run_scoped3A : memref<!tpu.dma_semaphore, #tpu.memory_space<semaphore_mem>>) {add = true}
        %dma_wait3A_74 = arith.constant 0 : i32
        %dma_wait3A_75 = arith.constant 0 : i32
        %dma_wait3A_76 = tpu.memref_slice %arg6[%dma_wait3A_74, %dma_wait3A_75] : memref<10240x128xf32, #tpu.memory_space<vmem_shared>> -> memref<10240x128xf32, #tpu.memory_space<vmem_shared>>
        tpu.wait_indirect_dma semaphore(%run_scoped3A : memref<!tpu.dma_semaphore, #tpu.memory_space<semaphore_mem>>) src(%arg11 : memref<128x128xf32, #tpu.memory_space<vmem>>) dst(%dma_wait3A_76 : memref<10240x128xf32, #tpu.memory_space<vmem_shared>>)
        tpu.yield
      }) : () -> ()
      %lt3A = arith.constant 78 : i32
      %lt3A_52 = arith.cmpi slt, %mul3A_44, %lt3A : i32
      %convert_element_type3A = arith.extui %lt3A_52 : i1 to i32
      %cond3A = arith.constant 0 : i32
      %cond3A_53 = arith.cmpi ne, %convert_element_type3A, %cond3A : i32
      scf.if %cond3A_53 {
        %add3A_71 = arith.constant 2 : i32
        %add3A_72 = arith.addi %mul3A_44, %add3A_71 : i32
        %mul3A_73 = arith.constant 128 : i32
        %mul3A_74 = arith.muli %add3A_72, %mul3A_73 : i32
        %add3A_75 = arith.addi %mul3A_15, %mul3A_74 : i32
        %dma_start3A_76 = tpu.memref_slice %arg3[%add3A_75] : memref<327680xi32, #tpu.memory_space<hbm>> -> memref<128xi32, #tpu.memory_space<hbm>>
        %dma_start3A_77 = tpu.memref_slice %arg3[%add3A_75] : memref<327680xi32, #tpu.memory_space<hbm>> -> memref<128xi32, #tpu.memory_space<hbm>>
        tpu.enqueue_dma source(%dma_start3A_77 : memref<128xi32, #tpu.memory_space<hbm>>) target(%arg9 : memref<128xi32, #tpu.memory_space<vmem>>) target_semaphore(%arg15 : memref<!tpu.dma_semaphore, #tpu.memory_space<semaphore_mem>>)
        %add3A_78 = arith.constant 2 : i32
        %add3A_79 = arith.addi %mul3A_44, %add3A_78 : i32
        %dma_start3A_80 = arith.constant 0 : i32
        %dma_start3A_81 = tpu.memref_slice %arg8[%add3A_79, %dma_start3A_80] : memref<80x128xi32, #tpu.memory_space<vmem>> -> memref<1x128xi32, #tpu.memory_space<vmem>>
        %dma_start3A_82 = tpu.memref_squeeze %dma_start3A_81 : memref<1x128xi32, #tpu.memory_space<vmem>> -> memref<128xi32, #tpu.memory_space<vmem>>
        %dma_start3A_83 = arith.constant 0 : i32
        %dma_start3A_84 = arith.constant 0 : i32
        %dma_start3A_85 = tpu.memref_slice %arg4[%dma_start3A_83, %dma_start3A_84] : memref<10000x128xf32, #tpu.memory_space<hbm>> -> memref<10000x128xf32, #tpu.memory_space<hbm>>
        tpu.enqueue_indirect_dma source(%dma_start3A_85 : memref<10000x128xf32, #tpu.memory_space<hbm>>) target(%arg11 : memref<128x128xf32, #tpu.memory_space<vmem>>) offsets(%dma_start3A_82 : memref<128xi32, #tpu.memory_space<vmem>>) semaphore(%arg13 : memref<!tpu.dma_semaphore, #tpu.memory_space<semaphore_mem>>)
      } else {
      }
      %mul3A_54 = arith.constant 2 : i32
      %mul3A_55 = arith.muli %mul3A_54, %scan3A_42 : i32
      %add3A_56 = arith.constant 1 : i32
      %add3A_57 = arith.addi %mul3A_55, %add3A_56 : i32
      %dma_wait3A_58 = arith.constant 0 : i32
      %dma_wait3A_59 = tpu.memref_slice %arg8[%add3A_57, %dma_wait3A_58] : memref<80x128xi32, #tpu.memory_space<vmem>> -> memref<1x128xi32, #tpu.memory_space<vmem>>
      %dma_wait3A_60 = tpu.memref_squeeze %dma_wait3A_59 : memref<1x128xi32, #tpu.memory_space<vmem>> -> memref<128xi32, #tpu.memory_space<vmem>>
      %dma_wait3A_61 = arith.constant 0 : i32
      %dma_wait3A_62 = arith.constant 0 : i32
      %dma_wait3A_63 = tpu.memref_slice %arg4[%dma_wait3A_61, %dma_wait3A_62] : memref<10000x128xf32, #tpu.memory_space<hbm>> -> memref<10000x128xf32, #tpu.memory_space<hbm>>
      tpu.wait_indirect_dma semaphore(%arg14 : memref<!tpu.dma_semaphore, #tpu.memory_space<semaphore_mem>>) src(%dma_wait3A_63 : memref<10000x128xf32, #tpu.memory_space<hbm>>) dst(%arg12 : memref<128x128xf32, #tpu.memory_space<vmem>>)
      %dma_wait3A_64 = tpu.memref_slice %arg3[%mul3A_15] : memref<327680xi32, #tpu.memory_space<hbm>> -> memref<128xi32, #tpu.memory_space<hbm>>
      %dma_wait3A_65 = tpu.memref_slice %arg3[%mul3A_15] : memref<327680xi32, #tpu.memory_space<hbm>> -> memref<128xi32, #tpu.memory_space<hbm>>
      tpu.wait_dma2 semaphore(%arg16 : memref<!tpu.dma_semaphore, #tpu.memory_space<semaphore_mem>>) src(%dma_wait3A_65 : memref<128xi32, #tpu.memory_space<hbm>>) dst(%arg10 : memref<128xi32, #tpu.memory_space<vmem>>)
      "tpu.region"() ({
        %run_scoped3A = tpu.sem_alloc : memref<!tpu.dma_semaphore, #tpu.memory_space<semaphore_mem>>
        %dma_start3A_71 = arith.constant 0 : i32
        %dma_start3A_72 = arith.constant 0 : i32
        %dma_start3A_73 = tpu.memref_slice %arg6[%dma_start3A_71, %dma_start3A_72] : memref<10240x128xf32, #tpu.memory_space<vmem_shared>> -> memref<10240x128xf32, #tpu.memory_space<vmem_shared>>
        tpu.enqueue_indirect_dma source(%arg12 : memref<128x128xf32, #tpu.memory_space<vmem>>) target(%dma_start3A_73 : memref<10240x128xf32, #tpu.memory_space<vmem_shared>>) offsets(%arg10 : memref<128xi32, #tpu.memory_space<vmem>>) semaphore(%run_scoped3A : memref<!tpu.dma_semaphore, #tpu.memory_space<semaphore_mem>>) {add = true}
        %dma_wait3A_74 = arith.constant 0 : i32
        %dma_wait3A_75 = arith.constant 0 : i32
        %dma_wait3A_76 = tpu.memref_slice %arg6[%dma_wait3A_74, %dma_wait3A_75] : memref<10240x128xf32, #tpu.memory_space<vmem_shared>> -> memref<10240x128xf32, #tpu.memory_space<vmem_shared>>
        tpu.wait_indirect_dma semaphore(%run_scoped3A : memref<!tpu.dma_semaphore, #tpu.memory_space<semaphore_mem>>) src(%arg12 : memref<128x128xf32, #tpu.memory_space<vmem>>) dst(%dma_wait3A_76 : memref<10240x128xf32, #tpu.memory_space<vmem_shared>>)
        tpu.yield
      }) : () -> ()
      %lt3A_66 = arith.constant 78 : i32
      %lt3A_67 = arith.cmpi slt, %add3A_57, %lt3A_66 : i32
      %convert_element_type3A_68 = arith.extui %lt3A_67 : i1 to i32
      %cond3A_69 = arith.constant 0 : i32
      %cond3A_70 = arith.cmpi ne, %convert_element_type3A_68, %cond3A_69 : i32
      scf.if %cond3A_70 {
        %add3A_71 = arith.constant 2 : i32
        %add3A_72 = arith.addi %add3A_57, %add3A_71 : i32
        %mul3A_73 = arith.constant 128 : i32
        %mul3A_74 = arith.muli %add3A_72, %mul3A_73 : i32
        %add3A_75 = arith.addi %mul3A_15, %mul3A_74 : i32
        %dma_start3A_76 = tpu.memref_slice %arg3[%add3A_75] : memref<327680xi32, #tpu.memory_space<hbm>> -> memref<128xi32, #tpu.memory_space<hbm>>
        %dma_start3A_77 = tpu.memref_slice %arg3[%add3A_75] : memref<327680xi32, #tpu.memory_space<hbm>> -> memref<128xi32, #tpu.memory_space<hbm>>
        tpu.enqueue_dma source(%dma_start3A_77 : memref<128xi32, #tpu.memory_space<hbm>>) target(%arg10 : memref<128xi32, #tpu.memory_space<vmem>>) target_semaphore(%arg16 : memref<!tpu.dma_semaphore, #tpu.memory_space<semaphore_mem>>)
        %add3A_78 = arith.constant 2 : i32
        %add3A_79 = arith.addi %add3A_57, %add3A_78 : i32
        %dma_start3A_80 = arith.constant 0 : i32
        %dma_start3A_81 = tpu.memref_slice %arg8[%add3A_79, %dma_start3A_80] : memref<80x128xi32, #tpu.memory_space<vmem>> -> memref<1x128xi32, #tpu.memory_space<vmem>>
        %dma_start3A_82 = tpu.memref_squeeze %dma_start3A_81 : memref<1x128xi32, #tpu.memory_space<vmem>> -> memref<128xi32, #tpu.memory_space<vmem>>
        %dma_start3A_83 = arith.constant 0 : i32
        %dma_start3A_84 = arith.constant 0 : i32
        %dma_start3A_85 = tpu.memref_slice %arg4[%dma_start3A_83, %dma_start3A_84] : memref<10000x128xf32, #tpu.memory_space<hbm>> -> memref<10000x128xf32, #tpu.memory_space<hbm>>
        tpu.enqueue_indirect_dma source(%dma_start3A_85 : memref<10000x128xf32, #tpu.memory_space<hbm>>) target(%arg12 : memref<128x128xf32, #tpu.memory_space<vmem>>) offsets(%dma_start3A_82 : memref<128xi32, #tpu.memory_space<vmem>>) semaphore(%arg14 : memref<!tpu.dma_semaphore, #tpu.memory_space<semaphore_mem>>)
      } else {
      }
    }
    %scan3A_40 = arith.constant 40 : i32
    %barrier3A_41 = arith.constant 0 : index
    tpu.barrier barrier_id(%barrier3A_41)
    "tpu.region"() ({
      %run_scoped3A = tpu.sem_alloc : memref<!tpu.dma_semaphore, #tpu.memory_space<semaphore_mem>>
      %dma_start3A_42 = arith.constant 0 : i32
      %dma_start3A_43 = tpu.memref_slice %arg5[%arg0, %mul3A_2, %dma_start3A_42] : memref<2x10240x128xf32, #tpu.memory_space<hbm>> -> memref<1x640x128xf32, #tpu.memory_space<hbm>>
      %dma_start3A_44 = tpu.memref_squeeze %dma_start3A_43 : memref<1x640x128xf32, #tpu.memory_space<hbm>> -> memref<640x128xf32, #tpu.memory_space<hbm>>
      %dma_start3A_45 = arith.constant 0 : i32
      %dma_start3A_46 = tpu.memref_slice %arg6[%mul3A_2, %dma_start3A_45] : memref<10240x128xf32, #tpu.memory_space<vmem_shared>> -> memref<640x128xf32, #tpu.memory_space<vmem_shared>>
      tpu.enqueue_dma source(%dma_start3A_46 : memref<640x128xf32, #tpu.memory_space<vmem_shared>>) target(%dma_start3A_44 : memref<640x128xf32, #tpu.memory_space<hbm>>) target_semaphore(%run_scoped3A : memref<!tpu.dma_semaphore, #tpu.memory_space<semaphore_mem>>)
      %dma_wait3A = arith.constant 0 : i32
      %dma_wait3A_47 = tpu.memref_slice %arg5[%arg0, %mul3A_2, %dma_wait3A] : memref<2x10240x128xf32, #tpu.memory_space<hbm>> -> memref<1x640x128xf32, #tpu.memory_space<hbm>>
      %dma_wait3A_48 = tpu.memref_squeeze %dma_wait3A_47 : memref<1x640x128xf32, #tpu.memory_space<hbm>> -> memref<640x128xf32, #tpu.memory_space<hbm>>
      %dma_wait3A_49 = arith.constant 0 : i32
      %dma_wait3A_50 = tpu.memref_slice %arg6[%mul3A_2, %dma_wait3A_49] : memref<10240x128xf32, #tpu.memory_space<vmem_shared>> -> memref<640x128xf32, #tpu.memory_space<vmem_shared>>
      tpu.wait_dma2 semaphore(%run_scoped3A : memref<!tpu.dma_semaphore, #tpu.memory_space<semaphore_mem>>) src(%dma_wait3A_50 : memref<640x128xf32, #tpu.memory_space<vmem_shared>>) dst(%dma_wait3A_48 : memref<640x128xf32, #tpu.memory_space<hbm>>)
      tpu.yield
    }) : () -> ()
    return
  }
}

#map = affine_map<(d0, d1) -> (0, 0, 0)>
#map1 = affine_map<(d0, d1) -> (0)>
#map2 = affine_map<(d0, d1) -> (0, 0)>
module attributes {stable_mosaic.version = 14 : i64} {
  func.func @_conv_body(%arg0: i32, %arg1: i32, %arg2: memref<32x80x128xi32, #tpu.memory_space<hbm>>, %arg3: memref<327680xi32, #tpu.memory_space<hbm>>, %arg4: memref<10000x128xf32, #tpu.memory_space<hbm>>, %arg5: memref<2x10240x128xf32, #tpu.memory_space<hbm>>, %arg6: memref<10240x128xf32, #tpu.memory_space<vmem_shared>>, %arg7: memref<16x128xf32, #tpu.memory_space<vmem>>, %arg8: memref<80x128xi32, #tpu.memory_space<vmem>>, %arg9: memref<128xi32, #tpu.memory_space<vmem>>, %arg10: memref<128xi32, #tpu.memory_space<vmem>>, %arg11: memref<128x128xf32, #tpu.memory_space<vmem>>, %arg12: memref<128x128xf32, #tpu.memory_space<vmem>>, %arg13: memref<!tpu.dma_semaphore, #tpu.memory_space<semaphore_mem>>, %arg14: memref<!tpu.dma_semaphore, #tpu.memory_space<semaphore_mem>>, %arg15: memref<!tpu.dma_semaphore, #tpu.memory_space<semaphore_mem>>, %arg16: memref<!tpu.dma_semaphore, #tpu.memory_space<semaphore_mem>>) attributes {dimension_semantics = [#tpu.dimension_semantics<core_parallel>, #tpu.dimension_semantics<subcore_parallel>], iteration_bounds = array<i64: 2, 16>, scalar_prefetch = 0 : i64, scratch_operands = 11 : i64, tpu.core_type = #tpu.core_type<sc_vector_subcore>, window_params = [{transform_indices = #map}, {transform_indices = #map1}, {transform_indices = #map2}, {transform_indices = #map}]} {
    %mul3A = arith.constant 16 : i32
    %mul3A_0 = arith.muli %arg0, %mul3A : i32
    %add3A = arith.addi %mul3A_0, %arg1 : i32
    %mul3A_1 = arith.constant 640 : i32
    %mul3A_2 = arith.muli %arg1, %mul3A_1 : i32
    %scan3A = arith.constant 0 : i32
    %scan3A_3 = arith.constant 0 : i32
    %scan3A_4 = arith.constant 16 : i32
    %scan3A_5 = arith.addi %scan3A_3, %scan3A_4 : i32
    %scan3A_6 = arith.constant 1 : i32
    scf.for %scan3A_42 = %scan3A_3 to %scan3A_5 step %scan3A_6  : i32 {
      %broadcast_in_dim3A = arith.constant 0.000000e+00 : f32
      %broadcast_in_dim3A_43 = vector.broadcast %broadcast_in_dim3A : f32 to vector<16xf32>
      %swap3A = arith.index_cast %scan3A_42 : i32 to index
      %swap3A_44 = arith.constant 0 : index
      %swap3A_45 = tpu.vector_load %arg7[%swap3A, %swap3A_44] {strides = array<i32>} : memref<16x128xf32, #tpu.memory_space<vmem>>, vector<1x16xf32>,
      %swap3A_46 = vector.shape_cast %swap3A_45 : vector<1x16xf32> to vector<16xf32>
      %swap3A_47 = vector.shape_cast %broadcast_in_dim3A_43 : vector<16xf32> to vector<1x16xf32>
      tpu.vector_store %arg7[%swap3A, %swap3A_44], %swap3A_47 {strides = array<i32>} : memref<16x128xf32, #tpu.memory_space<vmem>>, vector<1x16xf32>,
      %broadcast_in_dim3A_48 = arith.constant 0.000000e+00 : f32
      %broadcast_in_dim3A_49 = vector.broadcast %broadcast_in_dim3A_48 : f32 to vector<16xf32>
      %swap3A_50 = arith.index_cast %scan3A_42 : i32 to index
      %swap3A_51 = arith.constant 16 : index
      %swap3A_52 = tpu.vector_load %arg7[%swap3A_50, %swap3A_51] {strides = array<i32>} : memref<16x128xf32, #tpu.memory_space<vmem>>, vector<1x16xf32>,
      %swap3A_53 = vector.shape_cast %swap3A_52 : vector<1x16xf32> to vector<16xf32>
      %swap3A_54 = vector.shape_cast %broadcast_in_dim3A_49 : vector<16xf32> to vector<1x16xf32>
      tpu.vector_store %arg7[%swap3A_50, %swap3A_51], %swap3A_54 {strides = array<i32>} : memref<16x128xf32, #tpu.memory_space<vmem>>, vector<1x16xf32>,
      %broadcast_in_dim3A_55 = arith.constant 0.000000e+00 : f32
      %broadcast_in_dim3A_56 = vector.broadcast %broadcast_in_dim3A_55 : f32 to vector<16xf32>
      %swap3A_57 = arith.index_cast %scan3A_42 : i32 to index
      %swap3A_58 = arith.constant 32 : index
      %swap3A_59 = tpu.vector_load %arg7[%swap3A_57, %swap3A_58] {strides = array<i32>} : memref<16x128xf32, #tpu.memory_space<vmem>>, vector<1x16xf32>,
      %swap3A_60 = vector.shape_cast %swap3A_59 : vector<1x16xf32> to vector<16xf32>
      %swap3A_61 = vector.shape_cast %broadcast_in_dim3A_56 : vector<16xf32> to vector<1x16xf32>
      tpu.vector_store %arg7[%swap3A_57, %swap3A_58], %swap3A_61 {strides = array<i32>} : memref<16x128xf32, #tpu.memory_space<vmem>>, vector<1x16xf32>,
      %broadcast_in_dim3A_62 = arith.constant 0.000000e+00 : f32
      %broadcast_in_dim3A_63 = vector.broadcast %broadcast_in_dim3A_62 : f32 to vector<16xf32>
      %swap3A_64 = arith.index_cast %scan3A_42 : i32 to index
      %swap3A_65 = arith.constant 48 : index
      %swap3A_66 = tpu.vector_load %arg7[%swap3A_64, %swap3A_65] {strides = array<i32>} : memref<16x128xf32, #tpu.memory_space<vmem>>, vector<1x16xf32>,
      %swap3A_67 = vector.shape_cast %swap3A_66 : vector<1x16xf32> to vector<16xf32>
      %swap3A_68 = vector.shape_cast %broadcast_in_dim3A_63 : vector<16xf32> to vector<1x16xf32>
      tpu.vector_store %arg7[%swap3A_64, %swap3A_65], %swap3A_68 {strides = array<i32>} : memref<16x128xf32, #tpu.memory_space<vmem>>, vector<1x16xf32>,
      %broadcast_in_dim3A_69 = arith.constant 0.000000e+00 : f32
      %broadcast_in_dim3A_70 = vector.broadcast %broadcast_in_dim3A_69 : f32 to vector<16xf32>
      %swap3A_71 = arith.index_cast %scan3A_42 : i32 to index
      %swap3A_72 = arith.constant 64 : index
      %swap3A_73 = tpu.vector_load %arg7[%swap3A_71, %swap3A_72] {strides = array<i32>} : memref<16x128xf32, #tpu.memory_space<vmem>>, vector<1x16xf32>,
      %swap3A_74 = vector.shape_cast %swap3A_73 : vector<1x16xf32> to vector<16xf32>
      %swap3A_75 = vector.shape_cast %broadcast_in_dim3A_70 : vector<16xf32> to vector<1x16xf32>
      tpu.vector_store %arg7[%swap3A_71, %swap3A_72], %swap3A_75 {strides = array<i32>} : memref<16x128xf32, #tpu.memory_space<vmem>>, vector<1x16xf32>,
      %broadcast_in_dim3A_76 = arith.constant 0.000000e+00 : f32
      %broadcast_in_dim3A_77 = vector.broadcast %broadcast_in_dim3A_76 : f32 to vector<16xf32>
      %swap3A_78 = arith.index_cast %scan3A_42 : i32 to index
      %swap3A_79 = arith.constant 80 : index
      %swap3A_80 = tpu.vector_load %arg7[%swap3A_78, %swap3A_79] {strides = array<i32>} : memref<16x128xf32, #tpu.memory_space<vmem>>, vector<1x16xf32>,
      %swap3A_81 = vector.shape_cast %swap3A_80 : vector<1x16xf32> to vector<16xf32>
      %swap3A_82 = vector.shape_cast %broadcast_in_dim3A_77 : vector<16xf32> to vector<1x16xf32>
      tpu.vector_store %arg7[%swap3A_78, %swap3A_79], %swap3A_82 {strides = array<i32>} : memref<16x128xf32, #tpu.memory_space<vmem>>, vector<1x16xf32>,
      %broadcast_in_dim3A_83 = arith.constant 0.000000e+00 : f32
      %broadcast_in_dim3A_84 = vector.broadcast %broadcast_in_dim3A_83 : f32 to vector<16xf32>
      %swap3A_85 = arith.index_cast %scan3A_42 : i32 to index
      %swap3A_86 = arith.constant 96 : index
      %swap3A_87 = tpu.vector_load %arg7[%swap3A_85, %swap3A_86] {strides = array<i32>} : memref<16x128xf32, #tpu.memory_space<vmem>>, vector<1x16xf32>,
      %swap3A_88 = vector.shape_cast %swap3A_87 : vector<1x16xf32> to vector<16xf32>
      %swap3A_89 = vector.shape_cast %broadcast_in_dim3A_84 : vector<16xf32> to vector<1x16xf32>
      tpu.vector_store %arg7[%swap3A_85, %swap3A_86], %swap3A_89 {strides = array<i32>} : memref<16x128xf32, #tpu.memory_space<vmem>>, vector<1x16xf32>,
      %broadcast_in_dim3A_90 = arith.constant 0.000000e+00 : f32
      %broadcast_in_dim3A_91 = vector.broadcast %broadcast_in_dim3A_90 : f32 to vector<16xf32>
      %swap3A_92 = arith.index_cast %scan3A_42 : i32 to index
      %swap3A_93 = arith.constant 112 : index
      %swap3A_94 = tpu.vector_load %arg7[%swap3A_92, %swap3A_93] {strides = array<i32>} : memref<16x128xf32, #tpu.memory_space<vmem>>, vector<1x16xf32>,
      %swap3A_95 = vector.shape_cast %swap3A_94 : vector<1x16xf32> to vector<16xf32>
      %swap3A_96 = vector.shape_cast %broadcast_in_dim3A_91 : vector<16xf32> to vector<1x16xf32>
      tpu.vector_store %arg7[%swap3A_92, %swap3A_93], %swap3A_96 {strides = array<i32>} : memref<16x128xf32, #tpu.memory_space<vmem>>, vector<1x16xf32>,
    }
    %scan3A_7 = arith.constant 16 : i32
    %scan3A_8 = arith.constant 0 : i32
    %scan3A_9 = arith.constant 0 : i32
    %scan3A_10 = arith.constant 40 : i32
    %scan3A_11 = arith.addi %scan3A_9, %scan3A_10 : i32
    %scan3A_12 = arith.constant 1 : i32
    scf.for %scan3A_42 = %scan3A_9 to %scan3A_11 step %scan3A_12  : i32 {
      %mul3A_43 = arith.constant 16 : i32
      %mul3A_44 = arith.muli %scan3A_42, %mul3A_43 : i32
      %add3A_45 = arith.addi %mul3A_2, %mul3A_44 : i32
      "tpu.region"() ({
        %run_scoped3A = tpu.sem_alloc : memref<!tpu.dma_semaphore, #tpu.memory_space<semaphore_mem>>
        %dma_start3A_46 = arith.constant 0 : i32
        %dma_start3A_47 = tpu.memref_slice %arg6[%add3A_45, %dma_start3A_46] : memref<10240x128xf32, #tpu.memory_space<vmem_shared>> -> memref<16x128xf32, #tpu.memory_space<vmem_shared>>
        %dma_start3A_48 = arith.constant 0 : i32
        %dma_start3A_49 = tpu.memref_slice %arg6[%add3A_45, %dma_start3A_48] : memref<10240x128xf32, #tpu.memory_space<vmem_shared>> -> memref<16x128xf32, #tpu.memory_space<vmem_shared>>
        tpu.enqueue_dma source(%arg7 : memref<16x128xf32, #tpu.memory_space<vmem>>) target(%dma_start3A_49 : memref<16x128xf32, #tpu.memory_space<vmem_shared>>) target_semaphore(%run_scoped3A : memref<!tpu.dma_semaphore, #tpu.memory_space<semaphore_mem>>)
        %dma_wait3A = arith.constant 0 : i32
        %dma_wait3A_50 = tpu.memref_slice %arg6[%add3A_45, %dma_wait3A] : memref<10240x128xf32, #tpu.memory_space<vmem_shared>> -> memref<16x128xf32, #tpu.memory_space<vmem_shared>>
        %dma_wait3A_51 = arith.constant 0 : i32
        %dma_wait3A_52 = tpu.memref_slice %arg6[%add3A_45, %dma_wait3A_51] : memref<10240x128xf32, #tpu.memory_space<vmem_shared>> -> memref<16x128xf32, #tpu.memory_space<vmem_shared>>
        tpu.wait_dma2 semaphore(%run_scoped3A : memref<!tpu.dma_semaphore, #tpu.memory_space<semaphore_mem>>) src(%arg7 : memref<16x128xf32, #tpu.memory_space<vmem>>) dst(%dma_wait3A_52 : memref<16x128xf32, #tpu.memory_space<vmem_shared>>)
        tpu.yield
      }) : () -> ()
    }
    %scan3A_13 = arith.constant 40 : i32
    "tpu.region"() ({
      %run_scoped3A = tpu.sem_alloc : memref<!tpu.dma_semaphore, #tpu.memory_space<semaphore_mem>>
      %dma_start3A_42 = arith.constant 0 : i32
      %dma_start3A_43 = arith.constant 0 : i32
      %dma_start3A_44 = tpu.memref_slice %arg2[%add3A, %dma_start3A_42, %dma_start3A_43] : memref<32x80x128xi32, #tpu.memory_space<hbm>> -> memref<1x80x128xi32, #tpu.memory_space<hbm>>
      %dma_start3A_45 = tpu.memref_squeeze %dma_start3A_44 : memref<1x80x128xi32, #tpu.memory_space<hbm>> -> memref<80x128xi32, #tpu.memory_space<hbm>>
      %dma_start3A_46 = arith.constant 0 : i32
      %dma_start3A_47 = arith.constant 0 : i32
      %dma_start3A_48 = tpu.memref_slice %arg2[%add3A, %dma_start3A_46, %dma_start3A_47] : memref<32x80x128xi32, #tpu.memory_space<hbm>> -> memref<1x80x128xi32, #tpu.memory_space<hbm>>
      %dma_start3A_49 = tpu.memref_squeeze %dma_start3A_48 : memref<1x80x128xi32, #tpu.memory_space<hbm>> -> memref<80x128xi32, #tpu.memory_space<hbm>>
      tpu.enqueue_dma source(%dma_start3A_49 : memref<80x128xi32, #tpu.memory_space<hbm>>) target(%arg8 : memref<80x128xi32, #tpu.memory_space<vmem>>) target_semaphore(%run_scoped3A : memref<!tpu.dma_semaphore, #tpu.memory_space<semaphore_mem>>)
      %dma_wait3A = arith.constant 0 : i32
      %dma_wait3A_50 = arith.constant 0 : i32
      %dma_wait3A_51 = tpu.memref_slice %arg2[%add3A, %dma_wait3A, %dma_wait3A_50] : memref<32x80x128xi32, #tpu.memory_space<hbm>> -> memref<1x80x128xi32, #tpu.memory_space<hbm>>
      %dma_wait3A_52 = tpu.memref_squeeze %dma_wait3A_51 : memref<1x80x128xi32, #tpu.memory_space<hbm>> -> memref<80x128xi32, #tpu.memory_space<hbm>>
      %dma_wait3A_53 = arith.constant 0 : i32
      %dma_wait3A_54 = arith.constant 0 : i32
      %dma_wait3A_55 = tpu.memref_slice %arg2[%add3A, %dma_wait3A_53, %dma_wait3A_54] : memref<32x80x128xi32, #tpu.memory_space<hbm>> -> memref<1x80x128xi32, #tpu.memory_space<hbm>>
      %dma_wait3A_56 = tpu.memref_squeeze %dma_wait3A_55 : memref<1x80x128xi32, #tpu.memory_space<hbm>> -> memref<80x128xi32, #tpu.memory_space<hbm>>
      tpu.wait_dma2 semaphore(%run_scoped3A : memref<!tpu.dma_semaphore, #tpu.memory_space<semaphore_mem>>) src(%dma_wait3A_56 : memref<80x128xi32, #tpu.memory_space<hbm>>) dst(%arg8 : memref<80x128xi32, #tpu.memory_space<vmem>>)
      tpu.yield
    }) : () -> ()
    %barrier3A = arith.constant 0 : index
    tpu.barrier barrier_id(%barrier3A)
    %mul3A_14 = arith.constant 10240 : i32
    %mul3A_15 = arith.muli %add3A, %mul3A_14 : i32
    %dma_start3A = tpu.memref_slice %arg3[%mul3A_15] : memref<327680xi32, #tpu.memory_space<hbm>> -> memref<128xi32, #tpu.memory_space<hbm>>
    %dma_start3A_16 = tpu.memref_slice %arg3[%mul3A_15] : memref<327680xi32, #tpu.memory_space<hbm>> -> memref<128xi32, #tpu.memory_space<hbm>>
    tpu.enqueue_dma source(%dma_start3A_16 : memref<128xi32, #tpu.memory_space<hbm>>) target(%arg9 : memref<128xi32, #tpu.memory_space<vmem>>) target_semaphore(%arg15 : memref<!tpu.dma_semaphore, #tpu.memory_space<semaphore_mem>>)
    %add3A_17 = arith.constant 128 : i32
    %add3A_18 = arith.addi %mul3A_15, %add3A_17 : i32
    %dma_start3A_19 = tpu.memref_slice %arg3[%add3A_18] : memref<327680xi32, #tpu.memory_space<hbm>> -> memref<128xi32, #tpu.memory_space<hbm>>
    %dma_start3A_20 = tpu.memref_slice %arg3[%add3A_18] : memref<327680xi32, #tpu.memory_space<hbm>> -> memref<128xi32, #tpu.memory_space<hbm>>
    tpu.enqueue_dma source(%dma_start3A_20 : memref<128xi32, #tpu.memory_space<hbm>>) target(%arg10 : memref<128xi32, #tpu.memory_space<vmem>>) target_semaphore(%arg16 : memref<!tpu.dma_semaphore, #tpu.memory_space<semaphore_mem>>)
    %dma_start3A_21 = arith.constant 0 : i32
    %dma_start3A_22 = arith.constant 0 : i32
    %dma_start3A_23 = tpu.memref_slice %arg8[%dma_start3A_21, %dma_start3A_22] : memref<80x128xi32, #tpu.memory_space<vmem>> -> memref<1x128xi32, #tpu.memory_space<vmem>>
    %dma_start3A_24 = tpu.memref_squeeze %dma_start3A_23 : memref<1x128xi32, #tpu.memory_space<vmem>> -> memref<128xi32, #tpu.memory_space<vmem>>
    %dma_start3A_25 = arith.constant 0 : i32
    %dma_start3A_26 = arith.constant 0 : i32
    %dma_start3A_27 = tpu.memref_slice %arg4[%dma_start3A_25, %dma_start3A_26] : memref<10000x128xf32, #tpu.memory_space<hbm>> -> memref<10000x128xf32, #tpu.memory_space<hbm>>
    tpu.enqueue_indirect_dma source(%dma_start3A_27 : memref<10000x128xf32, #tpu.memory_space<hbm>>) target(%arg11 : memref<128x128xf32, #tpu.memory_space<vmem>>) offsets(%dma_start3A_24 : memref<128xi32, #tpu.memory_space<vmem>>) semaphore(%arg13 : memref<!tpu.dma_semaphore, #tpu.memory_space<semaphore_mem>>)
    %dma_start3A_28 = arith.constant 1 : i32
    %dma_start3A_29 = arith.constant 0 : i32
    %dma_start3A_30 = tpu.memref_slice %arg8[%dma_start3A_28, %dma_start3A_29] : memref<80x128xi32, #tpu.memory_space<vmem>> -> memref<1x128xi32, #tpu.memory_space<vmem>>
    %dma_start3A_31 = tpu.memref_squeeze %dma_start3A_30 : memref<1x128xi32, #tpu.memory_space<vmem>> -> memref<128xi32, #tpu.memory_space<vmem>>
    %dma_start3A_32 = arith.constant 0 : i32
    %dma_start3A_33 = arith.constant 0 : i32
    %dma_start3A_34 = tpu.memref_slice %arg4[%dma_start3A_32, %dma_start3A_33] : memref<10000x128xf32, #tpu.memory_space<hbm>> -> memref<10000x128xf32, #tpu.memory_space<hbm>>
    tpu.enqueue_indirect_dma source(%dma_start3A_34 : memref<10000x128xf32, #tpu.memory_space<hbm>>) target(%arg12 : memref<128x128xf32, #tpu.memory_space<vmem>>) offsets(%dma_start3A_31 : memref<128xi32, #tpu.memory_space<vmem>>) semaphore(%arg14 : memref<!tpu.dma_semaphore, #tpu.memory_space<semaphore_mem>>)
    %scan3A_35 = arith.constant 0 : i32
    %scan3A_36 = arith.constant 0 : i32
    %scan3A_37 = arith.constant 40 : i32
    %scan3A_38 = arith.addi %scan3A_36, %scan3A_37 : i32
    %scan3A_39 = arith.constant 1 : i32
    scf.for %scan3A_42 = %scan3A_36 to %scan3A_38 step %scan3A_39  : i32 {
      %mul3A_43 = arith.constant 2 : i32
      %mul3A_44 = arith.muli %mul3A_43, %scan3A_42 : i32
      %dma_wait3A = arith.constant 0 : i32
      %dma_wait3A_45 = tpu.memref_slice %arg8[%mul3A_44, %dma_wait3A] : memref<80x128xi32, #tpu.memory_space<vmem>> -> memref<1x128xi32, #tpu.memory_space<vmem>>
      %dma_wait3A_46 = tpu.memref_squeeze %dma_wait3A_45 : memref<1x128xi32, #tpu.memory_space<vmem>> -> memref<128xi32, #tpu.memory_space<vmem>>
      %dma_wait3A_47 = arith.constant 0 : i32
      %dma_wait3A_48 = arith.constant 0 : i32
      %dma_wait3A_49 = tpu.memref_slice %arg4[%dma_wait3A_47, %dma_wait3A_48] : memref<10000x128xf32, #tpu.memory_space<hbm>> -> memref<10000x128xf32, #tpu.memory_space<hbm>>
      tpu.wait_indirect_dma semaphore(%arg13 : memref<!tpu.dma_semaphore, #tpu.memory_space<semaphore_mem>>) src(%dma_wait3A_49 : memref<10000x128xf32, #tpu.memory_space<hbm>>) dst(%arg11 : memref<128x128xf32, #tpu.memory_space<vmem>>)
      %dma_wait3A_50 = tpu.memref_slice %arg3[%mul3A_15] : memref<327680xi32, #tpu.memory_space<hbm>> -> memref<128xi32, #tpu.memory_space<hbm>>
      %dma_wait3A_51 = tpu.memref_slice %arg3[%mul3A_15] : memref<327680xi32, #tpu.memory_space<hbm>> -> memref<128xi32, #tpu.memory_space<hbm>>
      tpu.wait_dma2 semaphore(%arg15 : memref<!tpu.dma_semaphore, #tpu.memory_space<semaphore_mem>>) src(%dma_wait3A_51 : memref<128xi32, #tpu.memory_space<hbm>>) dst(%arg9 : memref<128xi32, #tpu.memory_space<vmem>>)
      "tpu.region"() ({
        %run_scoped3A = tpu.sem_alloc : memref<!tpu.dma_semaphore, #tpu.memory_space<semaphore_mem>>
        %dma_start3A_71 = arith.constant 0 : i32
        %dma_start3A_72 = arith.constant 0 : i32
        %dma_start3A_73 = tpu.memref_slice %arg6[%dma_start3A_71, %dma_start3A_72] : memref<10240x128xf32, #tpu.memory_space<vmem_shared>> -> memref<10240x128xf32, #tpu.memory_space<vmem_shared>>
        tpu.enqueue_indirect_dma source(%arg11 : memref<128x128xf32, #tpu.memory_space<vmem>>) target(%dma_start3A_73 : memref<10240x128xf32, #tpu.memory_space<vmem_shared>>) offsets(%arg9 : memref<128xi32, #tpu.memory_space<vmem>>) semaphore(%run_scoped3A : memref<!tpu.dma_semaphore, #tpu.memory_space<semaphore_mem>>) {add = true}
        %dma_wait3A_74 = arith.constant 0 : i32
        %dma_wait3A_75 = arith.constant 0 : i32
        %dma_wait3A_76 = tpu.memref_slice %arg6[%dma_wait3A_74, %dma_wait3A_75] : memref<10240x128xf32, #tpu.memory_space<vmem_shared>> -> memref<10240x128xf32, #tpu.memory_space<vmem_shared>>
        tpu.wait_indirect_dma semaphore(%run_scoped3A : memref<!tpu.dma_semaphore, #tpu.memory_space<semaphore_mem>>) src(%arg11 : memref<128x128xf32, #tpu.memory_space<vmem>>) dst(%dma_wait3A_76 : memref<10240x128xf32, #tpu.memory_space<vmem_shared>>)
        tpu.yield
      }) : () -> ()
      %lt3A = arith.constant 78 : i32
      %lt3A_52 = arith.cmpi slt, %mul3A_44, %lt3A : i32
      %convert_element_type3A = arith.extui %lt3A_52 : i1 to i32
      %cond3A = arith.constant 0 : i32
      %cond3A_53 = arith.cmpi ne, %convert_element_type3A, %cond3A : i32
      scf.if %cond3A_53 {
        %add3A_71 = arith.constant 2 : i32
        %add3A_72 = arith.addi %mul3A_44, %add3A_71 : i32
        %mul3A_73 = arith.constant 128 : i32
        %mul3A_74 = arith.muli %add3A_72, %mul3A_73 : i32
        %add3A_75 = arith.addi %mul3A_15, %mul3A_74 : i32
        %dma_start3A_76 = tpu.memref_slice %arg3[%add3A_75] : memref<327680xi32, #tpu.memory_space<hbm>> -> memref<128xi32, #tpu.memory_space<hbm>>
        %dma_start3A_77 = tpu.memref_slice %arg3[%add3A_75] : memref<327680xi32, #tpu.memory_space<hbm>> -> memref<128xi32, #tpu.memory_space<hbm>>
        tpu.enqueue_dma source(%dma_start3A_77 : memref<128xi32, #tpu.memory_space<hbm>>) target(%arg9 : memref<128xi32, #tpu.memory_space<vmem>>) target_semaphore(%arg15 : memref<!tpu.dma_semaphore, #tpu.memory_space<semaphore_mem>>)
        %add3A_78 = arith.constant 2 : i32
        %add3A_79 = arith.addi %mul3A_44, %add3A_78 : i32
        %dma_start3A_80 = arith.constant 0 : i32
        %dma_start3A_81 = tpu.memref_slice %arg8[%add3A_79, %dma_start3A_80] : memref<80x128xi32, #tpu.memory_space<vmem>> -> memref<1x128xi32, #tpu.memory_space<vmem>>
        %dma_start3A_82 = tpu.memref_squeeze %dma_start3A_81 : memref<1x128xi32, #tpu.memory_space<vmem>> -> memref<128xi32, #tpu.memory_space<vmem>>
        %dma_start3A_83 = arith.constant 0 : i32
        %dma_start3A_84 = arith.constant 0 : i32
        %dma_start3A_85 = tpu.memref_slice %arg4[%dma_start3A_83, %dma_start3A_84] : memref<10000x128xf32, #tpu.memory_space<hbm>> -> memref<10000x128xf32, #tpu.memory_space<hbm>>
        tpu.enqueue_indirect_dma source(%dma_start3A_85 : memref<10000x128xf32, #tpu.memory_space<hbm>>) target(%arg11 : memref<128x128xf32, #tpu.memory_space<vmem>>) offsets(%dma_start3A_82 : memref<128xi32, #tpu.memory_space<vmem>>) semaphore(%arg13 : memref<!tpu.dma_semaphore, #tpu.memory_space<semaphore_mem>>)
      } else {
      }
      %mul3A_54 = arith.constant 2 : i32
      %mul3A_55 = arith.muli %mul3A_54, %scan3A_42 : i32
      %add3A_56 = arith.constant 1 : i32
      %add3A_57 = arith.addi %mul3A_55, %add3A_56 : i32
      %dma_wait3A_58 = arith.constant 0 : i32
      %dma_wait3A_59 = tpu.memref_slice %arg8[%add3A_57, %dma_wait3A_58] : memref<80x128xi32, #tpu.memory_space<vmem>> -> memref<1x128xi32, #tpu.memory_space<vmem>>
      %dma_wait3A_60 = tpu.memref_squeeze %dma_wait3A_59 : memref<1x128xi32, #tpu.memory_space<vmem>> -> memref<128xi32, #tpu.memory_space<vmem>>
      %dma_wait3A_61 = arith.constant 0 : i32
      %dma_wait3A_62 = arith.constant 0 : i32
      %dma_wait3A_63 = tpu.memref_slice %arg4[%dma_wait3A_61, %dma_wait3A_62] : memref<10000x128xf32, #tpu.memory_space<hbm>> -> memref<10000x128xf32, #tpu.memory_space<hbm>>
      tpu.wait_indirect_dma semaphore(%arg14 : memref<!tpu.dma_semaphore, #tpu.memory_space<semaphore_mem>>) src(%dma_wait3A_63 : memref<10000x128xf32, #tpu.memory_space<hbm>>) dst(%arg12 : memref<128x128xf32, #tpu.memory_space<vmem>>)
      %dma_wait3A_64 = tpu.memref_slice %arg3[%mul3A_15] : memref<327680xi32, #tpu.memory_space<hbm>> -> memref<128xi32, #tpu.memory_space<hbm>>
      %dma_wait3A_65 = tpu.memref_slice %arg3[%mul3A_15] : memref<327680xi32, #tpu.memory_space<hbm>> -> memref<128xi32, #tpu.memory_space<hbm>>
      tpu.wait_dma2 semaphore(%arg16 : memref<!tpu.dma_semaphore, #tpu.memory_space<semaphore_mem>>) src(%dma_wait3A_65 : memref<128xi32, #tpu.memory_space<hbm>>) dst(%arg10 : memref<128xi32, #tpu.memory_space<vmem>>)
      "tpu.region"() ({
        %run_scoped3A = tpu.sem_alloc : memref<!tpu.dma_semaphore, #tpu.memory_space<semaphore_mem>>
        %dma_start3A_71 = arith.constant 0 : i32
        %dma_start3A_72 = arith.constant 0 : i32
        %dma_start3A_73 = tpu.memref_slice %arg6[%dma_start3A_71, %dma_start3A_72] : memref<10240x128xf32, #tpu.memory_space<vmem_shared>> -> memref<10240x128xf32, #tpu.memory_space<vmem_shared>>
        tpu.enqueue_indirect_dma source(%arg12 : memref<128x128xf32, #tpu.memory_space<vmem>>) target(%dma_start3A_73 : memref<10240x128xf32, #tpu.memory_space<vmem_shared>>) offsets(%arg10 : memref<128xi32, #tpu.memory_space<vmem>>) semaphore(%run_scoped3A : memref<!tpu.dma_semaphore, #tpu.memory_space<semaphore_mem>>) {add = true}
        %dma_wait3A_74 = arith.constant 0 : i32
        %dma_wait3A_75 = arith.constant 0 : i32
        %dma_wait3A_76 = tpu.memref_slice %arg6[%dma_wait3A_74, %dma_wait3A_75] : memref<10240x128xf32, #tpu.memory_space<vmem_shared>> -> memref<10240x128xf32, #tpu.memory_space<vmem_shared>>
        tpu.wait_indirect_dma semaphore(%run_scoped3A : memref<!tpu.dma_semaphore, #tpu.memory_space<semaphore_mem>>) src(%arg12 : memref<128x128xf32, #tpu.memory_space<vmem>>) dst(%dma_wait3A_76 : memref<10240x128xf32, #tpu.memory_space<vmem_shared>>)
        tpu.yield
      }) : () -> ()
      %lt3A_66 = arith.constant 78 : i32
      %lt3A_67 = arith.cmpi slt, %add3A_57, %lt3A_66 : i32
      %convert_element_type3A_68 = arith.extui %lt3A_67 : i1 to i32
      %cond3A_69 = arith.constant 0 : i32
      %cond3A_70 = arith.cmpi ne, %convert_element_type3A_68, %cond3A_69 : i32
      scf.if %cond3A_70 {
        %add3A_71 = arith.constant 2 : i32
        %add3A_72 = arith.addi %add3A_57, %add3A_71 : i32
        %mul3A_73 = arith.constant 128 : i32
        %mul3A_74 = arith.muli %add3A_72, %mul3A_73 : i32
        %add3A_75 = arith.addi %mul3A_15, %mul3A_74 : i32
        %dma_start3A_76 = tpu.memref_slice %arg3[%add3A_75] : memref<327680xi32, #tpu.memory_space<hbm>> -> memref<128xi32, #tpu.memory_space<hbm>>
        %dma_start3A_77 = tpu.memref_slice %arg3[%add3A_75] : memref<327680xi32, #tpu.memory_space<hbm>> -> memref<128xi32, #tpu.memory_space<hbm>>
        tpu.enqueue_dma source(%dma_start3A_77 : memref<128xi32, #tpu.memory_space<hbm>>) target(%arg10 : memref<128xi32, #tpu.memory_space<vmem>>) target_semaphore(%arg16 : memref<!tpu.dma_semaphore, #tpu.memory_space<semaphore_mem>>)
        %add3A_78 = arith.constant 2 : i32
        %add3A_79 = arith.addi %add3A_57, %add3A_78 : i32
        %dma_start3A_80 = arith.constant 0 : i32
        %dma_start3A_81 = tpu.memref_slice %arg8[%add3A_79, %dma_start3A_80] : memref<80x128xi32, #tpu.memory_space<vmem>> -> memref<1x128xi32, #tpu.memory_space<vmem>>
        %dma_start3A_82 = tpu.memref_squeeze %dma_start3A_81 : memref<1x128xi32, #tpu.memory_space<vmem>> -> memref<128xi32, #tpu.memory_space<vmem>>
        %dma_start3A_83 = arith.constant 0 : i32
        %dma_start3A_84 = arith.constant 0 : i32
        %dma_start3A_85 = tpu.memref_slice %arg4[%dma_start3A_83, %dma_start3A_84] : memref<10000x128xf32, #tpu.memory_space<hbm>> -> memref<10000x128xf32, #tpu.memory_space<hbm>>
        tpu.enqueue_indirect_dma source(%dma_start3A_85 : memref<10000x128xf32, #tpu.memory_space<hbm>>) target(%arg12 : memref<128x128xf32, #tpu.memory_space<vmem>>) offsets(%dma_start3A_82 : memref<128xi32, #tpu.memory_space<vmem>>) semaphore(%arg14 : memref<!tpu.dma_semaphore, #tpu.memory_space<semaphore_mem>>)
      } else {
      }
    }
    %scan3A_40 = arith.constant 40 : i32
    %barrier3A_41 = arith.constant 0 : index
    tpu.barrier barrier_id(%barrier3A_41)
    "tpu.region"() ({
      %run_scoped3A = tpu.sem_alloc : memref<!tpu.dma_semaphore, #tpu.memory_space<semaphore_mem>>
      %dma_start3A_42 = arith.constant 0 : i32
      %dma_start3A_43 = tpu.memref_slice %arg5[%arg0, %mul3A_2, %dma_start3A_42] : memref<2x10240x128xf32, #tpu.memory_space<hbm>> -> memref<1x640x128xf32, #tpu.memory_space<hbm>>
      %dma_start3A_44 = tpu.memref_squeeze %dma_start3A_43 : memref<1x640x128xf32, #tpu.memory_space<hbm>> -> memref<640x128xf32, #tpu.memory_space<hbm>>
      %dma_start3A_45 = arith.constant 0 : i32
      %dma_start3A_46 = tpu.memref_slice %arg6[%mul3A_2, %dma_start3A_45] : memref<10240x128xf32, #tpu.memory_space<vmem_shared>> -> memref<640x128xf32, #tpu.memory_space<vmem_shared>>
      tpu.enqueue_dma source(%dma_start3A_46 : memref<640x128xf32, #tpu.memory_space<vmem_shared>>) target(%dma_start3A_44 : memref<640x128xf32, #tpu.memory_space<hbm>>) target_semaphore(%run_scoped3A : memref<!tpu.dma_semaphore, #tpu.memory_space<semaphore_mem>>)
      %dma_wait3A = arith.constant 0 : i32
      %dma_wait3A_47 = tpu.memref_slice %arg5[%arg0, %mul3A_2, %dma_wait3A] : memref<2x10240x128xf32, #tpu.memory_space<hbm>> -> memref<1x640x128xf32, #tpu.memory_space<hbm>>
      %dma_wait3A_48 = tpu.memref_squeeze %dma_wait3A_47 : memref<1x640x128xf32, #tpu.memory_space<hbm>> -> memref<640x128xf32, #tpu.memory_space<hbm>>
      %dma_wait3A_49 = arith.constant 0 : i32
      %dma_wait3A_50 = tpu.memref_slice %arg6[%mul3A_2, %dma_wait3A_49] : memref<10240x128xf32, #tpu.memory_space<vmem_shared>> -> memref<640x128xf32, #tpu.memory_space<vmem_shared>>
      tpu.wait_dma2 semaphore(%run_scoped3A : memref<!tpu.dma_semaphore, #tpu.memory_space<semaphore_mem>>) src(%dma_wait3A_50 : memref<640x128xf32, #tpu.memory_space<vmem_shared>>) dst(%dma_wait3A_48 : memref<640x128xf32, #tpu.memory_space<hbm>>)
      tpu.yield
    }) : () -> ()
    return
  }
}

module attributes {stable_mosaic.version = 14 : i64} {
  func.func @_kmm_body(%arg0: i32, %arg1: memref<1000x128xf32, #tpu.memory_space<vmem>>, %arg2: memref<128x128xf32, #tpu.memory_space<vmem>>, %arg3: memref<1000x128xf32, #tpu.memory_space<vmem>>) attributes {dimension_semantics = [#tpu.dimension_semantics<arbitrary>], iteration_bounds = array<i64: 10>, scalar_prefetch = 0 : i64, scratch_operands = 0 : i64, tpu.core_type = #tpu.core_type<tc>, window_params = [{transform_indices = @transform_0, window_bounds = array<i64: 1000, 128>}, {pipeline_mode = #tpu.pipeline_mode<synchronous>, transform_indices = @transform_1, window_bounds = array<i64: 128, 128>}, {transform_indices = @transform_2, window_bounds = array<i64: 1000, 128>}]} {
    %get3A = arith.constant 0 : index
    %get3A_0 = arith.constant 0 : index
    %get3A_1 = vector.load %arg1[%get3A, %get3A_0] : memref<1000x128xf32, #tpu.memory_space<vmem>>, vector<1000x128xf32>
    %get3A_2 = arith.constant 0 : index
    %get3A_3 = arith.constant 0 : index
    %get3A_4 = vector.load %arg2[%get3A_2, %get3A_3] : memref<128x128xf32, #tpu.memory_space<vmem>>, vector<128x128xf32>
    %dot_general3A = arith.constant dense<0.000000e+00> : vector<1000x128xf32>
    %dot_general3A_5 = tpu.matmul %get3A_1, %get3A_4, %dot_general3A {dimension_numbers = #tpu.dot_dimension_numbers<[1], [0], [0], [1], [0, 0, 1, 1], [], []>, transpose_lhs_hint = false} : vector<1000x128xf32>, vector<128x128xf32>, vector<1000x128xf32> -> vector<1000x128xf32>
    %swap3A = arith.constant 0 : index
    %swap3A_6 = arith.constant 0 : index
    %swap3A_7 = vector.load %arg3[%swap3A, %swap3A_6] : memref<1000x128xf32, #tpu.memory_space<vmem>>, vector<1000x128xf32>
    tpu.vector_store %arg3[%swap3A, %swap3A_6], %dot_general3A_5 {strides = array<i32>} : memref<1000x128xf32, #tpu.memory_space<vmem>>, vector<1000x128xf32>,
    return
  }
  func.func @transform_0(%arg0: i32) -> (i32, i32) {
    %c0_i32 = arith.constant 0 : i32
    %c0_i32_0 = arith.constant 0 : i32
    return %arg0, %c0_i32 : i32, i32
  }
  func.func @transform_1(%arg0: i32) -> (i32, i32) {
    %c0_i32 = arith.constant 0 : i32
    %c0_i32_0 = arith.constant 0 : i32
    %c0_i32_1 = arith.constant 0 : i32
    return %c0_i32, %c0_i32_0 : i32, i32
  }
  func.func @transform_2(%arg0: i32) -> (i32, i32) {
    %c0_i32 = arith.constant 0 : i32
    %c0_i32_0 = arith.constant 0 : i32
    return %arg0, %c0_i32 : i32, i32
  }
}

module attributes {stable_mosaic.version = 14 : i64} {
  func.func @_kscale_body(%arg0: i32, %arg1: memref<1000x128xf32, #tpu.memory_space<vmem>>, %arg2: memref<1000x16xf32, #tpu.memory_space<vmem>>, %arg3: memref<1000x16xf32, #tpu.memory_space<vmem>>, %arg4: memref<1000x128xf32, #tpu.memory_space<vmem>>) attributes {dimension_semantics = [#tpu.dimension_semantics<arbitrary>], iteration_bounds = array<i64: 10>, scalar_prefetch = 0 : i64, scratch_operands = 0 : i64, tpu.core_type = #tpu.core_type<tc>, window_params = [{transform_indices = @transform_0, window_bounds = array<i64: 1000, 128>}, {transform_indices = @transform_1, window_bounds = array<i64: 1000, 16>}, {transform_indices = @transform_2, window_bounds = array<i64: 1000, 16>}, {transform_indices = @transform_3, window_bounds = array<i64: 1000, 128>}]} {
    %get3A = arith.constant 0 : index
    %get3A_0 = arith.constant 0 : index
    %get3A_1 = vector.load %arg1[%get3A, %get3A_0] : memref<1000x128xf32, #tpu.memory_space<vmem>>, vector<1000x128xf32>
    %get3A_2 = arith.constant 0 : index
    %get3A_3 = arith.constant 0 : index
    %get3A_4 = vector.load %arg2[%get3A_2, %get3A_3] : memref<1000x16xf32, #tpu.memory_space<vmem>>, vector<1000x1xf32>
    %get3A_5 = arith.constant 0 : index
    %get3A_6 = arith.constant 0 : index
    %get3A_7 = vector.load %arg3[%get3A_5, %get3A_6] : memref<1000x16xf32, #tpu.memory_space<vmem>>, vector<1000x1xf32>
    %add3A = arith.addf %get3A_4, %get3A_7 : vector<1000x1xf32>
    %add3A_8 = arith.constant 1.000000e+00 : f32
    %add3A_9 = vector.broadcast %add3A_8 : f32 to vector<1000x1xf32>
    %add3A_10 = arith.addf %add3A, %add3A_9 : vector<1000x1xf32>
    %rsqrt3A = math.rsqrt %add3A_10 : vector<1000x1xf32>
    %mul3A = vector.broadcast %rsqrt3A : vector<1000x1xf32> to vector<1000x128xf32>
    %mul3A_11 = arith.mulf %get3A_1, %mul3A : vector<1000x128xf32>
    %swap3A = arith.constant 0 : index
    %swap3A_12 = arith.constant 0 : index
    %swap3A_13 = vector.load %arg4[%swap3A, %swap3A_12] : memref<1000x128xf32, #tpu.memory_space<vmem>>, vector<1000x128xf32>
    tpu.vector_store %arg4[%swap3A, %swap3A_12], %mul3A_11 {strides = array<i32>} : memref<1000x128xf32, #tpu.memory_space<vmem>>, vector<1000x128xf32>,
    return
  }
  func.func @transform_0(%arg0: i32) -> (i32, i32) {
    %c0_i32 = arith.constant 0 : i32
    %c0_i32_0 = arith.constant 0 : i32
    return %arg0, %c0_i32 : i32, i32
  }
  func.func @transform_1(%arg0: i32) -> (i32, i32) {
    %c0_i32 = arith.constant 0 : i32
    %c0_i32_0 = arith.constant 0 : i32
    return %arg0, %c0_i32 : i32, i32
  }
  func.func @transform_2(%arg0: i32) -> (i32, i32) {
    %c0_i32 = arith.constant 0 : i32
    %c0_i32_0 = arith.constant 0 : i32
    return %arg0, %c0_i32 : i32, i32
  }
  func.func @transform_3(%arg0: i32) -> (i32, i32) {
    %c0_i32 = arith.constant 0 : i32
    %c0_i32_0 = arith.constant 0 : i32
    return %arg0, %c0_i32 : i32, i32
  }
}

module attributes {stable_mosaic.version = 14 : i64} {
  func.func @_kb_body(%arg0: i32, %arg1: memref<1000x128xf32, #tpu.memory_space<vmem>>, %arg2: memref<1000x128xf32, #tpu.memory_space<vmem>>, %arg3: memref<1000x128xf32, #tpu.memory_space<vmem>>, %arg4: memref<1000x16xf32, #tpu.memory_space<vmem>>, %arg5: memref<1000x16xf32, #tpu.memory_space<vmem>>, %arg6: memref<1x128xf32, #tpu.memory_space<vmem>>, %arg7: memref<128x128xf32, #tpu.memory_space<vmem>>, %arg8: memref<1000x128xf32, #tpu.memory_space<vmem>>) attributes {dimension_semantics = [#tpu.dimension_semantics<arbitrary>], iteration_bounds = array<i64: 10>, scalar_prefetch = 0 : i64, scratch_operands = 0 : i64, tpu.core_type = #tpu.core_type<tc>, window_params = [{transform_indices = @transform_0, window_bounds = array<i64: 1000, 128>}, {transform_indices = @transform_1, window_bounds = array<i64: 1000, 128>}, {transform_indices = @transform_2, window_bounds = array<i64: 1000, 128>}, {transform_indices = @transform_3, window_bounds = array<i64: 1000, 16>}, {transform_indices = @transform_4, window_bounds = array<i64: 1000, 16>}, {pipeline_mode = #tpu.pipeline_mode<synchronous>, transform_indices = @transform_5, window_bounds = array<i64: 1, 128>}, {pipeline_mode = #tpu.pipeline_mode<synchronous>, transform_indices = @transform_6, window_bounds = array<i64: 128, 128>}, {transform_indices = @transform_7, window_bounds = array<i64: 1000, 128>}]} {
    %get3A = arith.constant 0 : index
    %get3A_0 = arith.constant 0 : index
    %get3A_1 = vector.load %arg4[%get3A, %get3A_0] : memref<1000x16xf32, #tpu.memory_space<vmem>>, vector<1000x1xf32>
    %get3A_2 = arith.constant 0 : index
    %get3A_3 = arith.constant 0 : index
    %get3A_4 = vector.load %arg5[%get3A_2, %get3A_3] : memref<1000x16xf32, #tpu.memory_space<vmem>>, vector<1000x1xf32>
    %add3A = arith.addf %get3A_1, %get3A_4 : vector<1000x1xf32>
    %add3A_5 = arith.constant 1.000000e+00 : f32
    %add3A_6 = vector.broadcast %add3A_5 : f32 to vector<1000x1xf32>
    %add3A_7 = arith.addf %add3A, %add3A_6 : vector<1000x1xf32>
    %rsqrt3A = math.rsqrt %add3A_7 : vector<1000x1xf32>
    %get3A_8 = arith.constant 0 : index
    %get3A_9 = arith.constant 0 : index
    %get3A_10 = vector.load %arg1[%get3A_8, %get3A_9] : memref<1000x128xf32, #tpu.memory_space<vmem>>, vector<1000x128xf32>
    %get3A_11 = arith.constant 0 : index
    %get3A_12 = arith.constant 0 : index
    %get3A_13 = vector.load %arg2[%get3A_11, %get3A_12] : memref<1000x128xf32, #tpu.memory_space<vmem>>, vector<1000x128xf32>
    %add3A_14 = arith.addf %get3A_10, %get3A_13 : vector<1000x128xf32>
    %get3A_15 = arith.constant 0 : index
    %get3A_16 = arith.constant 0 : index
    %get3A_17 = vector.load %arg3[%get3A_15, %get3A_16] : memref<1000x128xf32, #tpu.memory_space<vmem>>, vector<1000x128xf32>
    %add3A_18 = arith.addf %add3A_14, %get3A_17 : vector<1000x128xf32>
    %mul3A = vector.broadcast %rsqrt3A : vector<1000x1xf32> to vector<1000x128xf32>
    %mul3A_19 = arith.mulf %add3A_18, %mul3A : vector<1000x128xf32>
    %get3A_20 = arith.constant 0 : index
    %get3A_21 = arith.constant 0 : index
    %get3A_22 = vector.load %arg6[%get3A_20, %get3A_21] : memref<1x128xf32, #tpu.memory_space<vmem>>, vector<1x128xf32>
    %add3A_23 = vector.broadcast %get3A_22 : vector<1x128xf32> to vector<1000x128xf32>
    %add3A_24 = arith.addf %mul3A_19, %add3A_23 : vector<1000x128xf32>
    %max3A = arith.constant 0.000000e+00 : f32
    %max3A_25 = vector.broadcast %max3A : f32 to vector<1000x128xf32>
    %max3A_26 = arith.maximumf %add3A_24, %max3A_25 : vector<1000x128xf32>
    %get3A_27 = arith.constant 0 : index
    %get3A_28 = arith.constant 0 : index
    %get3A_29 = vector.load %arg7[%get3A_27, %get3A_28] : memref<128x128xf32, #tpu.memory_space<vmem>>, vector<128x128xf32>
    %dot_general3A = arith.constant dense<0.000000e+00> : vector<1000x128xf32>
    %dot_general3A_30 = tpu.matmul %max3A_26, %get3A_29, %dot_general3A {dimension_numbers = #tpu.dot_dimension_numbers<[1], [0], [0], [1], [0, 0, 1, 1], [], []>, transpose_lhs_hint = false} : vector<1000x128xf32>, vector<128x128xf32>, vector<1000x128xf32> -> vector<1000x128xf32>
    %mul3A_31 = vector.broadcast %rsqrt3A : vector<1000x1xf32> to vector<1000x128xf32>
    %mul3A_32 = arith.mulf %dot_general3A_30, %mul3A_31 : vector<1000x128xf32>
    %swap3A = arith.constant 0 : index
    %swap3A_33 = arith.constant 0 : index
    %swap3A_34 = vector.load %arg8[%swap3A, %swap3A_33] : memref<1000x128xf32, #tpu.memory_space<vmem>>, vector<1000x128xf32>
    tpu.vector_store %arg8[%swap3A, %swap3A_33], %mul3A_32 {strides = array<i32>} : memref<1000x128xf32, #tpu.memory_space<vmem>>, vector<1000x128xf32>,
    return
  }
  func.func @transform_0(%arg0: i32) -> (i32, i32) {
    %c0_i32 = arith.constant 0 : i32
    %c0_i32_0 = arith.constant 0 : i32
    return %arg0, %c0_i32 : i32, i32
  }
  func.func @transform_1(%arg0: i32) -> (i32, i32) {
    %c0_i32 = arith.constant 0 : i32
    %c0_i32_0 = arith.constant 0 : i32
    return %arg0, %c0_i32 : i32, i32
  }
  func.func @transform_2(%arg0: i32) -> (i32, i32) {
    %c0_i32 = arith.constant 0 : i32
    %c0_i32_0 = arith.constant 0 : i32
    return %arg0, %c0_i32 : i32, i32
  }
  func.func @transform_3(%arg0: i32) -> (i32, i32) {
    %c0_i32 = arith.constant 0 : i32
    %c0_i32_0 = arith.constant 0 : i32
    return %arg0, %c0_i32 : i32, i32
  }
  func.func @transform_4(%arg0: i32) -> (i32, i32) {
    %c0_i32 = arith.constant 0 : i32
    %c0_i32_0 = arith.constant 0 : i32
    return %arg0, %c0_i32 : i32, i32
  }
  func.func @transform_5(%arg0: i32) -> (i32, i32) {
    %c0_i32 = arith.constant 0 : i32
    %c0_i32_0 = arith.constant 0 : i32
    %c0_i32_1 = arith.constant 0 : i32
    return %c0_i32, %c0_i32_0 : i32, i32
  }
  func.func @transform_6(%arg0: i32) -> (i32, i32) {
    %c0_i32 = arith.constant 0 : i32
    %c0_i32_0 = arith.constant 0 : i32
    %c0_i32_1 = arith.constant 0 : i32
    return %c0_i32, %c0_i32_0 : i32, i32
  }
  func.func @transform_7(%arg0: i32) -> (i32, i32) {
    %c0_i32 = arith.constant 0 : i32
    %c0_i32_0 = arith.constant 0 : i32
    return %arg0, %c0_i32 : i32, i32
  }
}

module attributes {stable_mosaic.version = 14 : i64} {
  func.func @_kc_body(%arg0: i32, %arg1: memref<1000x128xf32, #tpu.memory_space<vmem>>, %arg2: memref<1000x128xf32, #tpu.memory_space<vmem>>, %arg3: memref<1000x128xf32, #tpu.memory_space<vmem>>, %arg4: memref<1000x16xf32, #tpu.memory_space<vmem>>, %arg5: memref<1000x16xf32, #tpu.memory_space<vmem>>, %arg6: memref<1x128xf32, #tpu.memory_space<vmem>>, %arg7: memref<1000x8xf32, #tpu.memory_space<vmem>>, %arg8: memref<128x10xf32, #tpu.memory_space<vmem>>, %arg9: memref<1x10xf32, #tpu.memory_space<vmem>>, %arg10: memref<64x10xf32, #tpu.memory_space<vmem>>, %arg11: memref<64x128xf32, #tpu.memory_space<vmem>>, %arg12: memref<64x128xf32, #tpu.memory_space<vmem>>) attributes {dimension_semantics = [#tpu.dimension_semantics<arbitrary>], iteration_bounds = array<i64: 10>, scalar_prefetch = 0 : i64, scratch_operands = 2 : i64, tpu.core_type = #tpu.core_type<tc>, window_params = [{transform_indices = @transform_0, window_bounds = array<i64: 1000, 128>}, {transform_indices = @transform_1, window_bounds = array<i64: 1000, 128>}, {transform_indices = @transform_2, window_bounds = array<i64: 1000, 128>}, {transform_indices = @transform_3, window_bounds = array<i64: 1000, 16>}, {transform_indices = @transform_4, window_bounds = array<i64: 1000, 16>}, {pipeline_mode = #tpu.pipeline_mode<synchronous>, transform_indices = @transform_5, window_bounds = array<i64: 1, 128>}, {transform_indices = @transform_6, window_bounds = array<i64: 1000, 8>}, {pipeline_mode = #tpu.pipeline_mode<synchronous>, transform_indices = @transform_7, window_bounds = array<i64: 128, 10>}, {pipeline_mode = #tpu.pipeline_mode<synchronous>, transform_indices = @transform_8, window_bounds = array<i64: 1, 10>}, {pipeline_mode = #tpu.pipeline_mode<synchronous>, transform_indices = @transform_9, window_bounds = array<i64: 64, 10>}]} {
    %get3A = arith.constant 0 : index
    %get3A_0 = arith.constant 0 : index
    %get3A_1 = vector.load %arg4[%get3A, %get3A_0] : memref<1000x16xf32, #tpu.memory_space<vmem>>, vector<1000x1xf32>
    %get3A_2 = arith.constant 0 : index
    %get3A_3 = arith.constant 0 : index
    %get3A_4 = vector.load %arg5[%get3A_2, %get3A_3] : memref<1000x16xf32, #tpu.memory_space<vmem>>, vector<1000x1xf32>
    %add3A = arith.addf %get3A_1, %get3A_4 : vector<1000x1xf32>
    %add3A_5 = arith.constant 1.000000e+00 : f32
    %add3A_6 = vector.broadcast %add3A_5 : f32 to vector<1000x1xf32>
    %add3A_7 = arith.addf %add3A, %add3A_6 : vector<1000x1xf32>
    %rsqrt3A = math.rsqrt %add3A_7 : vector<1000x1xf32>
    %get3A_8 = arith.constant 0 : index
    %get3A_9 = arith.constant 0 : index
    %get3A_10 = vector.load %arg1[%get3A_8, %get3A_9] : memref<1000x128xf32, #tpu.memory_space<vmem>>, vector<1000x128xf32>
    %get3A_11 = arith.constant 0 : index
    %get3A_12 = arith.constant 0 : index
    %get3A_13 = vector.load %arg2[%get3A_11, %get3A_12] : memref<1000x128xf32, #tpu.memory_space<vmem>>, vector<1000x128xf32>
    %add3A_14 = arith.addf %get3A_10, %get3A_13 : vector<1000x128xf32>
    %get3A_15 = arith.constant 0 : index
    %get3A_16 = arith.constant 0 : index
    %get3A_17 = vector.load %arg3[%get3A_15, %get3A_16] : memref<1000x128xf32, #tpu.memory_space<vmem>>, vector<1000x128xf32>
    %add3A_18 = arith.addf %add3A_14, %get3A_17 : vector<1000x128xf32>
    %mul3A = vector.broadcast %rsqrt3A : vector<1000x1xf32> to vector<1000x128xf32>
    %mul3A_19 = arith.mulf %add3A_18, %mul3A : vector<1000x128xf32>
    %get3A_20 = arith.constant 0 : index
    %get3A_21 = arith.constant 0 : index
    %get3A_22 = vector.load %arg6[%get3A_20, %get3A_21] : memref<1x128xf32, #tpu.memory_space<vmem>>, vector<1x128xf32>
    %add3A_23 = vector.broadcast %get3A_22 : vector<1x128xf32> to vector<1000x128xf32>
    %add3A_24 = arith.addf %mul3A_19, %add3A_23 : vector<1000x128xf32>
    %max3A = arith.constant 0.000000e+00 : f32
    %max3A_25 = vector.broadcast %max3A : f32 to vector<1000x128xf32>
    %max3A_26 = arith.maximumf %add3A_24, %max3A_25 : vector<1000x128xf32>
    %get3A_27 = arith.constant 0 : index
    %get3A_28 = arith.constant 0 : index
    %get3A_29 = vector.load %arg7[%get3A_27, %get3A_28] : memref<1000x8xf32, #tpu.memory_space<vmem>>, vector<1000x1xf32>
    %convert_element_type3A = arith.fptosi %get3A_29 : vector<1000x1xf32> to vector<1000x1xi32>
    %iota3A = tpu.iota {dimensions = array<i32: 1>} : vector<1000x64xi32>
    %eq3A = vector.broadcast %convert_element_type3A : vector<1000x1xi32> to vector<1000x64xi32>
    %eq3A_30 = arith.cmpi eq, %eq3A, %iota3A : vector<1000x64xi32>
    %jit3A = arith.constant 1.000000e+00 : f32
    %jit3A_31 = arith.constant 0.000000e+00 : f32
    %broadcast_in_dim3A = vector.broadcast %jit3A : f32 to vector<1000x64xf32>
    %broadcast_in_dim3A_32 = vector.broadcast %jit3A_31 : f32 to vector<1000x64xf32>
    %select_n3A = arith.select %eq3A_30, %broadcast_in_dim3A, %broadcast_in_dim3A_32 : vector<1000x64xi1>, vector<1000x64xf32>
    %dot_general3A = arith.constant dense<0.000000e+00> : vector<64x128xf32>
    %dot_general3A_33 = tpu.matmul %select_n3A, %max3A_26, %dot_general3A {dimension_numbers = #tpu.dot_dimension_numbers<[0], [0], [1], [1], [0, 1, 1, 1], [], []>, transpose_lhs_hint = false} : vector<1000x64xf32>, vector<1000x128xf32>, vector<64x128xf32> -> vector<64x128xf32>
    %broadcast_in_dim3A_34 = arith.constant 1.000000e+00 : f32
    %broadcast_in_dim3A_35 = vector.broadcast %broadcast_in_dim3A_34 : f32 to vector<1000x128xf32>
    %dot_general3A_36 = arith.constant dense<0.000000e+00> : vector<64x128xf32>
    %dot_general3A_37 = tpu.matmul %select_n3A, %broadcast_in_dim3A_35, %dot_general3A_36 {dimension_numbers = #tpu.dot_dimension_numbers<[0], [0], [1], [1], [0, 1, 1, 1], [], []>, transpose_lhs_hint = false} : vector<1000x64xf32>, vector<1000x128xf32>, vector<64x128xf32> -> vector<64x128xf32>
    %eq3A_38 = arith.constant 0 : i32
    %eq3A_39 = arith.cmpi eq, %arg0, %eq3A_38 : i32
    %convert_element_type3A_40 = arith.extui %eq3A_39 : i1 to i32
    %cond3A = arith.constant 0 : i32
    %cond3A_41 = arith.cmpi ne, %convert_element_type3A_40, %cond3A : i32
    scf.if %cond3A_41 {
      %broadcast_in_dim3A_60 = arith.constant 0.000000e+00 : f32
      %broadcast_in_dim3A_61 = vector.broadcast %broadcast_in_dim3A_60 : f32 to vector<64x128xf32>
      %swap3A_62 = arith.constant 0 : index
      %swap3A_63 = arith.constant 0 : index
      %swap3A_64 = vector.load %arg11[%swap3A_62, %swap3A_63] : memref<64x128xf32, #tpu.memory_space<vmem>>, vector<64x128xf32>
      tpu.vector_store %arg11[%swap3A_62, %swap3A_63], %broadcast_in_dim3A_61 {strides = array<i32>} : memref<64x128xf32, #tpu.memory_space<vmem>>, vector<64x128xf32>,
      %broadcast_in_dim3A_65 = arith.constant 0.000000e+00 : f32
      %broadcast_in_dim3A_66 = vector.broadcast %broadcast_in_dim3A_65 : f32 to vector<64x128xf32>
      %swap3A_67 = arith.constant 0 : index
      %swap3A_68 = arith.constant 0 : index
      %swap3A_69 = vector.load %arg12[%swap3A_67, %swap3A_68] : memref<64x128xf32, #tpu.memory_space<vmem>>, vector<64x128xf32>
      tpu.vector_store %arg12[%swap3A_67, %swap3A_68], %broadcast_in_dim3A_66 {strides = array<i32>} : memref<64x128xf32, #tpu.memory_space<vmem>>, vector<64x128xf32>,
    } else {
    }
    %get3A_42 = arith.constant 0 : index
    %get3A_43 = arith.constant 0 : index
    %get3A_44 = vector.load %arg11[%get3A_42, %get3A_43] : memref<64x128xf32, #tpu.memory_space<vmem>>, vector<64x128xf32>
    %add3A_45 = arith.addf %get3A_44, %dot_general3A_33 : vector<64x128xf32>
    %swap3A = arith.constant 0 : index
    %swap3A_46 = arith.constant 0 : index
    %swap3A_47 = vector.load %arg11[%swap3A, %swap3A_46] : memref<64x128xf32, #tpu.memory_space<vmem>>, vector<64x128xf32>
    tpu.vector_store %arg11[%swap3A, %swap3A_46], %add3A_45 {strides = array<i32>} : memref<64x128xf32, #tpu.memory_space<vmem>>, vector<64x128xf32>,
    %get3A_48 = arith.constant 0 : index
    %get3A_49 = arith.constant 0 : index
    %get3A_50 = vector.load %arg12[%get3A_48, %get3A_49] : memref<64x128xf32, #tpu.memory_space<vmem>>, vector<64x128xf32>
    %add3A_51 = arith.addf %get3A_50, %dot_general3A_37 : vector<64x128xf32>
    %swap3A_52 = arith.constant 0 : index
    %swap3A_53 = arith.constant 0 : index
    %swap3A_54 = vector.load %arg12[%swap3A_52, %swap3A_53] : memref<64x128xf32, #tpu.memory_space<vmem>>, vector<64x128xf32>
    tpu.vector_store %arg12[%swap3A_52, %swap3A_53], %add3A_51 {strides = array<i32>} : memref<64x128xf32, #tpu.memory_space<vmem>>, vector<64x128xf32>,
    %eq3A_55 = arith.constant 9 : i32
    %eq3A_56 = arith.cmpi eq, %arg0, %eq3A_55 : i32
    %convert_element_type3A_57 = arith.extui %eq3A_56 : i1 to i32
    %cond3A_58 = arith.constant 0 : i32
    %cond3A_59 = arith.cmpi ne, %convert_element_type3A_57, %cond3A_58 : i32
    scf.if %cond3A_59 {
      %get3A_60 = arith.constant 0 : index
      %get3A_61 = arith.constant 0 : index
      %get3A_62 = vector.load %arg11[%get3A_60, %get3A_61] : memref<64x128xf32, #tpu.memory_space<vmem>>, vector<64x128xf32>
      %get3A_63 = arith.constant 0 : index
      %get3A_64 = arith.constant 0 : index
      %get3A_65 = vector.load %arg12[%get3A_63, %get3A_64] : memref<64x128xf32, #tpu.memory_space<vmem>>, vector<64x128xf32>
      %max3A_66 = arith.constant 1.000000e+00 : f32
      %max3A_67 = vector.broadcast %max3A_66 : f32 to vector<64x128xf32>
      %max3A_68 = arith.maximumf %get3A_65, %max3A_67 : vector<64x128xf32>
      %div3A = arith.divf %get3A_62, %max3A_68 : vector<64x128xf32>
      %get3A_69 = arith.constant 0 : index
      %get3A_70 = arith.constant 0 : index
      %get3A_71 = vector.load %arg8[%get3A_69, %get3A_70] : memref<128x10xf32, #tpu.memory_space<vmem>>, vector<128x10xf32>
      %dot_general3A_72 = arith.constant dense<0.000000e+00> : vector<64x10xf32>
      %dot_general3A_73 = tpu.matmul %div3A, %get3A_71, %dot_general3A_72 {dimension_numbers = #tpu.dot_dimension_numbers<[1], [0], [0], [1], [0, 0, 1, 1], [], []>, transpose_lhs_hint = false} : vector<64x128xf32>, vector<128x10xf32>, vector<64x10xf32> -> vector<64x10xf32>
      %get3A_74 = arith.constant 0 : index
      %get3A_75 = arith.constant 0 : index
      %get3A_76 = vector.load %arg9[%get3A_74, %get3A_75] : memref<1x10xf32, #tpu.memory_space<vmem>>, vector<1x10xf32>
      %add3A_77 = vector.broadcast %get3A_76 : vector<1x10xf32> to vector<64x10xf32>
      %add3A_78 = arith.addf %dot_general3A_73, %add3A_77 : vector<64x10xf32>
      %swap3A_79 = arith.constant 0 : index
      %swap3A_80 = arith.constant 0 : index
      %swap3A_81 = vector.load %arg10[%swap3A_79, %swap3A_80] : memref<64x10xf32, #tpu.memory_space<vmem>>, vector<64x10xf32>
      tpu.vector_store %arg10[%swap3A_79, %swap3A_80], %add3A_78 {strides = array<i32>} : memref<64x10xf32, #tpu.memory_space<vmem>>, vector<64x10xf32>,
    } else {
    }
    return
  }
  func.func @transform_0(%arg0: i32) -> (i32, i32) {
    %c0_i32 = arith.constant 0 : i32
    %c0_i32_0 = arith.constant 0 : i32
    return %arg0, %c0_i32 : i32, i32
  }
  func.func @transform_1(%arg0: i32) -> (i32, i32) {
    %c0_i32 = arith.constant 0 : i32
    %c0_i32_0 = arith.constant 0 : i32
    return %arg0, %c0_i32 : i32, i32
  }
  func.func @transform_2(%arg0: i32) -> (i32, i32) {
    %c0_i32 = arith.constant 0 : i32
    %c0_i32_0 = arith.constant 0 : i32
    return %arg0, %c0_i32 : i32, i32
  }
  func.func @transform_3(%arg0: i32) -> (i32, i32) {
    %c0_i32 = arith.constant 0 : i32
    %c0_i32_0 = arith.constant 0 : i32
    return %arg0, %c0_i32 : i32, i32
  }
  func.func @transform_4(%arg0: i32) -> (i32, i32) {
    %c0_i32 = arith.constant 0 : i32
    %c0_i32_0 = arith.constant 0 : i32
    return %arg0, %c0_i32 : i32, i32
  }
  func.func @transform_5(%arg0: i32) -> (i32, i32) {
    %c0_i32 = arith.constant 0 : i32
    %c0_i32_0 = arith.constant 0 : i32
    %c0_i32_1 = arith.constant 0 : i32
    return %c0_i32, %c0_i32_0 : i32, i32
  }
  func.func @transform_6(%arg0: i32) -> (i32, i32) {
    %c0_i32 = arith.constant 0 : i32
    %c0_i32_0 = arith.constant 0 : i32
    return %arg0, %c0_i32 : i32, i32
  }
  func.func @transform_7(%arg0: i32) -> (i32, i32) {
    %c0_i32 = arith.constant 0 : i32
    %c0_i32_0 = arith.constant 0 : i32
    %c0_i32_1 = arith.constant 0 : i32
    return %c0_i32, %c0_i32_0 : i32, i32
  }
  func.func @transform_8(%arg0: i32) -> (i32, i32) {
    %c0_i32 = arith.constant 0 : i32
    %c0_i32_0 = arith.constant 0 : i32
    %c0_i32_1 = arith.constant 0 : i32
    return %c0_i32, %c0_i32_0 : i32, i32
  }
  func.func @transform_9(%arg0: i32) -> (i32, i32) {
    %c0_i32 = arith.constant 0 : i32
    %c0_i32_0 = arith.constant 0 : i32
    %c0_i32_1 = arith.constant 0 : i32
    return %c0_i32, %c0_i32_0 : i32, i32
  }
}

</mosaic_0001>

<sc_bundles>
// kernel: kernel.12.cloned.1.call-start
scs
__scs_entry_jumppad:
0x0: {  	(pc) =	sbr.rel $0x88, $3  }
0x1: {  	(tag) =	ssettag $0x0;
	lr =	simm.s32 $0x1  }
0x2: {  	[smem:$0x3F98] =	sst lr;
	_ =	strace $0xD0000000  }
0x3: {  	_ = 	snop  }
0x4: {  	_ = 	snop  }
0x5: {  	_ = 	snop  }
0x6: {  	_ = 	snop  }
0x7: {  	_ = 	snop  }
__scs_overlays_trampoline_lowered:
0x8: {  	[smem:$0x3FA7] =	sst s0  }
0x9: {  	[smem:$0x3FA8] =	sst s1  }
0xa: {  	[smem:$0x3FA9] =	sst s2  }
0xb: {  	[smem:$0x3FAA] =	sst s3  }
0xc: {  	[smem:$0x3FAB] =	sst s4  }
0xd: {  	[smem:$0x3FAC] =	sst s5  }
0xe: {  	[smem:$0x3FAD] =	sst s6  }
0xf: {  	[smem:$0x3FAE] =	sst s7  }
0x10: {  	[smem:$0x3FAF] =	sst s8  }
0x11: {  	[smem:$0x3FB0] =	sst s9;
	s0 =	simm.s32 @!p0 $0x0  }
0x12: {  	s1 =	sld [smem:$0x3F96];
	s0 =	simm.s32 @p0 $0x1  }
0x13: {  	[smem:$0x3FB1] =	sst s0;
	s0 =	simm.s32 @!p1 $0x0  }
0x14: {  	s2 =	sld [smem:$0x3F95];
	s0 =	simm.s32 @p1 $0x1  }
0x15: {  	[smem:$0x3FB2] =	sst s0;
	s0 =	simm.s32 @!p2 $0x0  }
0x16: {  	s3 =	sld [smem:$0x3FDB];
	s0 =	simm.s32 @p2 $0x1  }
0x17: {  	s4 =	simm.s32 $0x1BF5;
	[smem:$0x3FB4] =	sst s0  }
0x18: {  	s0 =	sld [smem:$0x3F97];
	_ =	swait.ge [sflag:s4], $0x0  }
0x19: {  	s7 =	sld [smem:$0x3F98]  }
0x1a: {  	s8 =	sadd.s32 $0xFFFFE003, lr  }
0x1b: {  	s9 =	sadd.s32 $0xFFFFFEF7, lr;
	s5 =	simm.s32 $0xFFFFFFFF;
	p2 =	slt.u32 s8, $0xFFFFF086  }
0x1c: {  	p1 =	slt.u32 s9, $0xF7A;
	s5 =	simm.s32 @!p2 $0x0  }
0x1d: {  	s5 =	simm.s32 @p1 $0x1;
	p0 =	seq.s32 s7, s2  }
0x1e: {  	s7 =	smul.u32 @!p0 $0xF7A, s2;
	p2 =	seq.s32 @!p0 s5, $0x0  }
0x1f: {  	s9 =	smul.u32 $0xF7A, s1;
	s8 =	simm.s32 @!p0 $0x1BF5;
	p2 =	por !p2, p0  }
0x20: {  	[sflag:s8] =	ssyncset.s32 @!p0 $0xFFFFF086;
	s6 =	sadd.s32 @!p0 s3, s7;
	s7 =	simm.s32 @!p0 $0x108  }
0x21: {  	s3 =	sadd.s32 s3, s9;
	s6 =	sadd.s32 @!p0 $0x88, s6;
	s7 =	simm.s32 @p2 $0x1082  }
0x22: {  	[simem:s7], [sflag:s8] =	dma.local @!p0 [hbm:s6], $0xF7A  }
0x23: {  	s9 =	sor.u32 $0xD0000000, s2;
	s6 =	simm.s32 $0x108;
	_ =	swait.ge @!p0 [sflag:s8], $0x0  }
0x24: {  	s3 =	sadd.s32 $0x88, s3;
	s6 =	simm.s32 @!p1 $0x1082;
	[sflag:s4] =	ssyncset.s32 $0xFFFFF086  }
0x25: {  	[simem:s6], [sflag:s4] =	dma.local [hbm:s3], $0xF7A  }
0x26: {  	[smem:$0x3F98] =	sst s1;
	(tag) =	ssettag s2;
	_ =	strace s9  }
0x27: {  	s1 =	sld [smem:$0x3FA8]  }
0x28: {  	s2 =	sld [smem:$0x3FA9]  }
0x29: {  	s4 =	sld [smem:$0x3FAB]  }
0x2a: {  	p0 =	seq.s32 s5, $0x0;
	s5 =	sld [smem:$0x3FAC]  }
0x2b: {  	s6 =	sld [smem:$0x3FAD]  }
0x2c: {  	s7 =	sld [smem:$0x3FAE]  }
0x2d: {  	s3 =	simm.s32 $0x108;
	s8 =	sld [smem:$0x3FAF]  }
0x2e: {  	s3 =	simm.s32 @!p0 $0x1082;
	s9 =	sld [smem:$0x3FB0]  }
0x2f: {  	lr =	sadd.s32 s0, s3;
	s0 =	sld [smem:$0x3FA7]  }
0x30: {  	s3 =	sld [smem:$0x3FAA]  }
0x31: {  	[smem:$0x3FB3] =	sst s10  }
0x32: {  	s10 =	sld [smem:$0x3FB1];
	_ =	sdelay $0x3  }
0x33: {  	p0 =	seq.s32 s10, $0x1;
	s10 =	sld [smem:$0x3FB3];
	_ =	sdelay $0x3  }
0x34: {  	[smem:$0x3FB3] =	sst s10  }
0x35: {  	s10 =	sld [smem:$0x3FB2];
	_ =	sdelay $0x3  }
0x36: {  	p1 =	seq.s32 s10, $0x1;
	s10 =	sld [smem:$0x3FB3];
	_ =	sdelay $0x3  }
0x37: {  	[smem:$0x3FB3] =	sst s10  }
0x38: {  	s10 =	sld [smem:$0x3FB4]  }
0x39: {  	_ = 	snop;
	(pc) =	sbr.ind lr, $3  }
0x3a: {  	_ = 	snop  }
0x3b: {  	_ = 	snop  }
0x3c: {  	p2 =	seq.s32 s10, $0x1;
	s10 =	sld [smem:$0x3FB3]  }
0x3d: {  	_ =	shalt  }
0x3e: {  	_ =	shalt  }
0x3f: {  	_ =	shalt  }
0x40: {  	_ =	shalt  }
0x41: {  	_ =	shalt  }
0x42: {  	_ =	shalt  }
0x43: {  	_ =	shalt  }
0x44: {  	_ =	shalt  }
0x45: {  	_ =	shalt  }
0x46: {  	_ =	shalt  }
0x47: {  	_ =	shalt  }
0x48: {  	_ =	shalt  }
0x49: {  	_ =	shalt  }
0x4a: {  	_ =	shalt  }
0x4b: {  	_ =	shalt  }
0x4c: {  	_ =	shalt  }
0x4d: {  	_ =	shalt  }
0x4e: {  	_ =	shalt  }
0x4f: {  	_ =	shalt  }
0x50: {  	_ =	shalt  }
0x51: {  	_ =	shalt  }
0x52: {  	_ =	shalt  }
0x53: {  	_ =	shalt  }
0x54: {  	_ =	shalt  }
0x55: {  	_ =	shalt  }
0x56: {  	_ =	shalt  }
0x57: {  	_ =	shalt  }
0x58: {  	_ =	shalt  }
0x59: {  	_ =	shalt  }
0x5a: {  	_ =	shalt  }
0x5b: {  	_ =	shalt  }
0x5c: {  	_ =	shalt  }
0x5d: {  	_ =	shalt  }
0x5e: {  	_ =	shalt  }
0x5f: {  	_ =	shalt  }
0x60: {  	_ =	shalt  }
0x61: {  	_ =	shalt  }
0x62: {  	_ =	shalt  }
0x63: {  	_ =	shalt  }
0x64: {  	_ =	shalt  }
0x65: {  	_ =	shalt  }
0x66: {  	_ =	shalt  }
0x67: {  	_ =	shalt  }
0x68: {  	_ =	shalt  }
0x69: {  	_ =	shalt  }
0x6a: {  	_ =	shalt  }
0x6b: {  	_ =	shalt  }
0x6c: {  	_ =	shalt  }
0x6d: {  	_ =	shalt  }
0x6e: {  	_ =	shalt  }
0x6f: {  	_ =	shalt  }
0x70: {  	_ =	shalt  }
0x71: {  	_ =	shalt  }
0x72: {  	_ =	shalt  }
0x73: {  	_ =	shalt  }
0x74: {  	_ =	shalt  }
0x75: {  	_ =	shalt  }
0x76: {  	_ =	shalt  }
0x77: {  	_ =	shalt  }
0x78: {  	_ =	shalt  }
0x79: {  	_ =	shalt  }
0x7a: {  	_ =	shalt  }
0x7b: {  	_ =	shalt  }
0x7c: {  	_ =	shalt  }
0x7d: {  	_ =	shalt  }
0x7e: {  	_ =	shalt  }
0x7f: {  	_ =	shalt  }
0x80: {  	_ =	shalt  }
0x81: {  	_ =	shalt  }
0x82: {  	_ =	shalt  }
0x83: {  	_ =	shalt  }
0x84: {  	_ =	shalt  }
0x85: {  	_ =	shalt  }
0x86: {  	_ =	shalt  }
0x87: {  	_ =	shalt  }
.Lfunc_end0:
.L_simem_size_0:
called_computation.1_lowered:
.L_overlay_start_0:
0x88: {  	s2 =	sld [smem:$0x3FD9]  }
0x89: {  	s3 =	sld [smem:$0x3FFE];
	_ =	sdelay $0x1  }
0x8a: {  	s1 =	srdreg.scid  }
0x8b: {  	s0 =	sand.u32 $0x1, s1  }
0x8c: {  	s16 =	sshll.u32 s0, $0xA;
	s2 =	sadd.s32 s3, s2  }
0x8d: {  	s2 =	sadd.s32 s2, s16  }
0x8e: {  	[smem:$0x3FBF] =	sst s2  }
0x8f: {  	_ = 	snop  }
0x90: {  	(tm) =	ssettm $0x1  }
0x91: {  	s17 =	sld [smem:$0x3FFB];
	_ =	sdelay $0x3  }
0x92: {  	_ =	strace s17  }
0x93: {  	s2 =	sld [smem:$0x3FFC];
	_ =	sdelay $0x3  }
0x94: {  	_ =	strace s2  }
0x95: {  	s2 =	sld [smem:$0x3FFD];
	_ =	sdelay $0x3  }
0x96: {  	_ =	strace s2  }
0x97: {  	_ =	strace $0x8FFFFFFF  }
0x98: {  	s18 =	sld [smem:$0x3FDB];
	_ =	sdelay $0x1  }
0x99: {  	s19 =	simm.s32 $_scs_section_size  }
0x9a: {  	s4 =	simm.s32 $_size__tile_overlayer_lowered;
	s5 =	simm.s32 $_tile_overlayer_lowered  }
0x9b: {  	s22 =	simm.s32 $0x1BFF;
	s21 =	sshll.u32 s5, $0x1;
	s2 =	sadd.s32 s19, s18  }
0x9c: {  	s6 =	simm.s32 $0x0;
	s20 =	sshll.u32 s4, $0x1;
	s4 =	sadd.s32 s21, s2  }
0x9d: {  	[timem:s6], [sflag:s22] =	dma.local [hbm:s4], s20  }
0x9e: {  	_ =	swait.ge [sflag:s22], s20  }
0x9f: {  	s3 =	ssub.s32 $0x0, s20;
	[sflag:s22] =	ssyncset.done $0x0  }
0xa0: {  	[sflag:s22] =	ssyncadd.s32 s3;
	_ =	sdelay $0x1  }
0xa1: {  	s23 =	simm.s32 $0x1B8B  }
0xa2: {  	_ =	swait.ge [sflag:s23], $0x1  }
0xa3: {  	[sflag:s23] =	ssyncset.done $0x0  }
0xa4: {  	s25 =	simm.s32 $0x1B8E;
	s24 =	sld [smem:$0x3FFE];
	[sflag:s23] =	ssyncadd.s32 $0xFFFFFFFF  }
0xa5: {  	s26 =	simm.s32 $execute0_lowered;
	[smem:$0x3FD2] =	sst s25  }
0xa6: {  	s4 =	sshll.u32 s26, $0x1;
	_ =	strace $0x80000049;
	[dreg:$0x1] =	wrdreg $0xFFFFFFFF  }
0xa7: {  	s28 =	simm.s32 $_size_execute0_lowered;
	s2 =	sadd.s32 s2, s4;
	[dreg:$0x0] =	wrdreg $0x0  }
0xa8: {  	s4 =	sshll.u32 s28, $0x1;
	[dreg:$0x2] =	wrdreg s2  }
0xa9: {  	[dreg:$0x3] =	wrdreg s4  }
0xaa: {  	[dreg:$0x4] =	wrdreg $0xC0  }
0xab: {  	_ =	task [dreg:s6], $0x5FFFF  }
0xac: {  	[dreg:$0x1] =	wrdreg $0xFFFFFFFF  }
0xad: {  	[dreg:$0x0] =	wrdreg $0x60  }
0xae: {  	[dreg:$0x2] =	wrdreg s24  }
0xaf: {  	[dreg:$0x3] =	wrdreg $0x0  }
0xb0: {  	[dreg:$0x4] =	wrdreg $0x9  }
0xb1: {  	_ =	task.clear_ibuf [dreg:s6], $0x5FFFF;
	_ =	strace $0x90000049  }
0xb2: {  	s29 =	simm.s32 $0x9;
	_ =	strace $0x8000004B  }
0xb3: {  	_ =	swait.ge [sflag:s29], $0x1  }
0xb4: {  	[sflag:s29] =	ssyncadd.s32 $0xFFFFFFFF  }
0xb5: {  	_ =	strace $0x9000004B  }
0xb6: {  	_ =	sfence  }
0xb7: {  	s30 =	sld [smem:$0x0];
	_ =	sdelay $0x2  }
0xb8: {  	s31 =	sshll.u32 s1, $0xD;
	s1 =	sshrl.u32 s1, $0x2  }
0xb9: {  	s3 =	sand.u32 $0x4000, s31;
	s1 =	sadd.s32 s1, s30  }
0xba: {  	s0 =	sor.u32 s3, s0;
	s1 =	sshll.u32 s1, $0x11  }
0xbb: {  	s0 =	sor.u32 s1, s0  }
0xbc: {  	s0 =	sadd.s32 $0x8F2B, s0  }
0xbd: {  	[sflag:s0] =	ssyncadd.remote.s32 $0x1  }
0xbe: {  	_ =	sfence.sel $0xFFFF  }
0xbf: {  	[dreg:$0x0] =	wrdreg $0xFFFFFFFF;
	(pc) =	sbr.abs _section_cstart, $3  }
0xc0: {  	[dreg:$0x1] =	wrdreg $0xFFFFFFFF  }
0xc1: {  	_ =	task.clear_ibuf [dreg:s6], $0x2FFFF;
	_ =	strace $0x9FFFFFFF  }
0xc2: {  	(tm) =	ssettm $0x7FFFFFFF  }
0xc3: {  	_ =	shalt  }
tec
execute0_lowered:
.L_overlay_start_1:
0x0: {  	(tag) =	ssettag $0x1  }
0x1: {  	s6 =	rddreg [dreg:$0x0]  }
0x2: {  	s0 =	srdreg.scid;
	s2 =	rddreg [dreg:$0x1]  }
0x3: {  	s3 =	simm.s32 $0x0;
	s16 =	simm.s32 $0x17000;
	s17 =	simm.s32 $0x17080  }
0x4: {  	s18 =	simm.s32 $0x80;
	s19 =	simm.s32 $0x17100;
	s20 =	simm.s32 $0x14880  }
0x5: {  	s21 =	simm.s32 $0x1B100;
	s22 =	simm.s32 $0x1;
	s5 =	sand.u32 $0x1, s0  }
0x6: {  	s23 =	simm.s32 $0x3;
	s0 =	stileid.u32;
	s8 =	smul.u32 $0x140000, s5  }
0x7: {  	s24 =	simm.s32 $0x2;
	[smem:$0x7FF] =	sst s3;
	s10 =	smul.u32 $0x14000, s0  }
0x8: {  	s12 =	sadd.s32 $0xDC00, s6;
	s1 =	sshll.u32 s5, $0x4;
	s11 =	smul.u32 $0x50000, s0  }
0x9: {  	_ =	strace $0x8000004A;
	s25 =	ssub.s32 $0x2, s5;
	s13 =	smul.u32 $0x28000, s5  }
0xa: {  	s14 =	smul.u32 $0x2800, s0;
	s1 =	sor.u32 s0, s1;
	s28 =	sshrl.u32 s25, $0x1  }
0xb: {  	s4 =	smul.u32 $0x2800, s1;
	s8 =	sadd.s32 s10, s8;
	s10 =	ssub.s32 s25, s28  }
0xc: {  	s29 =	sshrl.u32 s11, $0x2;
	s30 =	sadd.s32 s14, s13;
	s25 =	simm.s32 $0x4  }
0xd: {  	s26 =	sshrl.u32 s8, $0x3;
	s5 =	sadd.s32 s29, s2;
	s13 =	sor.u32 $0x180, s30  }
0xe: {  	s14 =	sor.u32 $0x100, s30;
	s10 =	smax.u32 s10, $0x1;
	s7 =	sshrl.u32 s4, $0x3  }
0xf: {  	s4 =	sadd.s32 $0x66000, s6;
	s15 =	sadd.s32 s26, s6;
	s13 =	sshrl.u32 s13, $0x3  }
0x10: {  	s31 =	sshrl.u32 s14, $0x3;
	s14 =	simm.s32 $0x5;
	s26 =	simm.s32 $0x0  }
0x11: {  	s9 =	sadd.s32 s7, s6;
	s6 =	sadd.s32 s12, s7;
	s11 =	sadd.s32 s13, s12  }
0x12: {  	s12 =	sadd.s32 s31, s12;
	s13 =	simm.s32 $0x14000;
	s7 =	sadd.s32 $0x3C00, s9  }
0x13: {  	v0 =	vimm.f32 $0.0e+00;
	s8 =	sadd.s32 $0x10, s6;
	s9 =	sadd.s32 $0x8D200, s15;
	s15 =	simm.s32 $0x14800  }
.LBB2_1:
0x14: {  	s28 =	simm.s32 $0x0;
	s29 =	simm.s32 $0x200  }
.LBB2_2:
0x15: {  	p0 =	sne.s32 s29, $0x1E00;
	[tilespmem:s28+$0x14070] =	vst v0  }
0x16: {  	[tilespmem:s28+$0x14000] =	vst v0  }
0x17: {  	[tilespmem:s28+$0x14010] =	vst v0  }
.Ltmp0:
0x18: {  	[tilespmem:s28+$0x14020] =	vst v0;
	(pc) =	sbr.rel @p0 .LBB2_2-.Ltmp0, $4  }
0x19: {  	[tilespmem:s28+$0x14030] =	vst v0  }
0x1a: {  	[tilespmem:s28+$0x14040] =	vst v0  }
0x1b: {  	[tilespmem:s28+$0x14050] =	vst v0  }
0x1c: {  	[tilespmem:s28+$0x14060] =	vst v0;
	s28 =	sshra.s32 s29, $0x2;
	s29 =	sadd.s32 $0x200, s29  }
0x1d: {  	[tilespmem:s28+$0x14070] =	vst v0  }
0x1e: {  	[tilespmem:s28+$0x14000] =	vst v0  }
0x1f: {  	[tilespmem:s28+$0x14010] =	vst v0  }
0x20: {  	[tilespmem:s28+$0x14020] =	vst v0  }
0x21: {  	[tilespmem:s28+$0x14030] =	vst v0  }
0x22: {  	[tilespmem:s28+$0x14040] =	vst v0  }
0x23: {  	[tilespmem:s28+$0x14050] =	vst v0  }
0x24: {  	[tilespmem:s28+$0x14060] =	vst v0;
	s28 =	sadd.s32 $0x0, s5  }
0x25: {  	[spmem:s28] =	stream.linear.scatter [tilespmem:s13], [sflag:$0x5], $0x800, $0x38;
	[tilespmem:$0x1F100] =	vst v63  }
0x26: {  	s28 =	simm.s32 $0x2000;
	_ =	swait.ge [sflag:s14], $0x800  }
.LBB2_4:
0x27: {  	s29 =	sshra.s32 s28, $0x2;
	[sflag:s14] =	ssyncset.done $0x0;
	p0 =	sne.s32 s28, $0x4E000  }
.Ltmp1:
0x28: {  	s29 =	sadd.s32 s29, s5;
	[sflag:s14] =	ssyncadd.s32 $0xFFFFF800;
	(pc) =	sbr.rel @p0 .LBB2_4-.Ltmp1, $3  }
0x29: {  	[spmem:s29] =	stream.linear.scatter [tilespmem:s13], [sflag:$0x5], $0x800, $0x38;
	[tilespmem:$0x1F100] =	vst v63  }
0x2a: {  	s28 =	sadd.s32 $0x2000, s28;
	_ =	sdelay $0x1  }
0x2b: {  	_ =	swait.ge [sflag:s14], $0x800  }
0x2c: {  	[sflag:s14] =	ssyncset.done $0x0  }
0x2d: {  	s28 =	simm.s32 $0x0;
	[sflag:s14] =	ssyncadd.s32 $0xFFFFF800  }
0x2e: {  	[tilespmem:s15], [sflag:$0x5] =	stream.linear.gather [hbm4b:s7+s28], $0x2800, $0x38;
	[tilespmem:$0x1F100] =	vst v63  }
0x2f: {  	_ =	swait.ge [sflag:s14], $0x2800  }
0x30: {  	[sflag:s14] =	ssyncset.done $0x0  }
0x31: {  	[sflag:s14] =	ssyncadd.s32 $0xFFFFD800  }
0x32: {  	[bflag:$0x0] =	sbarrier.arrive $0xFFFF  }
0x33: {  	[tilespmem:s16], [sflag:$0x3] =	stream.linear.gather [hbm4b:s6+s28], $0x80, $0x38;
	[tilespmem:$0x1F100] =	vst v63  }
0x34: {  	_ = 	snop  }
0x35: {  	[tilespmem:s17], [sflag:$0x4] =	stream.linear.gather [hbm4b:s8+s28], $0x80, $0x38;
	[tilespmem:$0x1F100] =	vst v63  }
0x36: {  	_ = 	snop  }
0x37: {  	[tilespmem:s19], [sflag:$0x1] =	stream.indirect.gather [hbm4b:s4+s18], $0x80, s15, s18, $0xb8;
	[tilespmem:$0x1F100] =	vst v63  }
0x38: {  	_ = 	snop  }
0x39: {  	[tilespmem:s21], [sflag:$0x2] =	stream.indirect.gather [hbm4b:s4+s18], $0x80, s20, s18, $0xb8;
	[tilespmem:$0x1F100] =	vst v63  }
0x3a: {  	_ =	swait.ge [sflag:s22], $0x4000  }
0x3b: {  	[sflag:s22] =	ssyncset.done $0x0  }
0x3c: {  	[sflag:s22] =	ssyncadd.s32 $0xFFFFC000  }
0x3d: {  	_ =	swait.ge [sflag:s23], $0x80  }
0x3e: {  	[sflag:s23] =	ssyncset.done $0x0  }
0x3f: {  	[sflag:s23] =	ssyncadd.s32 $0xFFFFFF80  }
0x40: {  	[spmem:s2] =	stream.indirect.scatter.add.f32 [tilespmem:s19], [sflag:$0x5], $0x80, s16, s18, $0xb8;
	[tilespmem:$0x1F100] =	vst v63  }
0x41: {  	_ =	swait.ge [sflag:s14], $0x4000  }
0x42: {  	[sflag:s14] =	ssyncset.done $0x0  }
0x43: {  	s28 =	sadd.s32 $0x0, s12;
	[sflag:s14] =	ssyncadd.s32 $0xFFFFC000  }
0x44: {  	[tilespmem:s16], [sflag:$0x3] =	stream.linear.gather [hbm4b:s28+s3], $0x80, $0x38;
	[tilespmem:$0x1F100] =	vst v63  }
0x45: {  	s28 =	simm.s32 $0x14900  }
0x46: {  	[tilespmem:s19], [sflag:$0x1] =	stream.indirect.gather [hbm4b:s4+s18], $0x80, s28, s18, $0xb8;
	[tilespmem:$0x1F100] =	vst v63  }
0x47: {  	_ =	swait.ge [sflag:s24], $0x4000  }
0x48: {  	[sflag:s24] =	ssyncset.done $0x0  }
0x49: {  	[sflag:s24] =	ssyncadd.s32 $0xFFFFC000  }
0x4a: {  	_ =	swait.ge [sflag:s25], $0x80  }
0x4b: {  	[sflag:s25] =	ssyncset.done $0x0  }
0x4c: {  	[sflag:s25] =	ssyncadd.s32 $0xFFFFFF80  }
0x4d: {  	[spmem:s2] =	stream.indirect.scatter.add.f32 [tilespmem:s21], [sflag:$0x5], $0x80, s17, s18, $0xb8;
	[tilespmem:$0x1F100] =	vst v63  }
0x4e: {  	_ =	swait.ge [sflag:s14], $0x4000  }
0x4f: {  	[sflag:s14] =	ssyncset.done $0x0  }
0x50: {  	s28 =	sadd.s32 $0x0, s11;
	[sflag:s14] =	ssyncadd.s32 $0xFFFFC000  }
0x51: {  	[tilespmem:s17], [sflag:$0x4] =	stream.linear.gather [hbm4b:s28+s3], $0x80, $0x38;
	[tilespmem:$0x1F100] =	vst v63  }
0x52: {  	s29 =	simm.s32 $0x20;
	s30 =	simm.s32 $0x14A80;
	s28 =	simm.s32 $0x14980  }
.LBB2_6:
0x53: {  	[tilespmem:s21], [sflag:$0x2] =	stream.indirect.gather [hbm4b:s4+s18], $0x80, s28, s18, $0xb8;
	[tilespmem:$0x1F100] =	vst v63  }
0x54: {  	s31 =	smov.u32 s29;
	s28 =	smov.u32 s30  }
0x55: {  	p0 =	sne.s32 s29, $0x4C0;
	s29 =	sadd.s32 $0x20, s29;
	_ =	swait.ge [sflag:s22], $0x4000  }
0x56: {  	[sflag:s22] =	ssyncset.done $0x0  }
0x57: {  	[sflag:s22] =	ssyncadd.s32 $0xFFFFC000  }
0x58: {  	_ =	swait.ge [sflag:s23], $0x80  }
0x59: {  	[sflag:s23] =	ssyncset.done $0x0  }
0x5a: {  	[sflag:s23] =	ssyncadd.s32 $0xFFFFFF80  }
0x5b: {  	[spmem:s2] =	stream.indirect.scatter.add.f32 [tilespmem:s19], [sflag:$0x5], $0x80, s16, s18, $0xb8;
	[tilespmem:$0x1F100] =	vst v63  }
0x5c: {  	_ =	swait.ge [sflag:s14], $0x4000  }
0x5d: {  	[sflag:s14] =	ssyncset.done $0x0  }
0x5e: {  	s1 =	sadd.s32 s31, s12;
	[sflag:s14] =	ssyncadd.s32 $0xFFFFC000  }
0x5f: {  	[tilespmem:s16], [sflag:$0x3] =	stream.linear.gather [hbm4b:s1+s3], $0x80, $0x38;
	[tilespmem:$0x1F100] =	vst v63  }
0x60: {  	s1 =	sadd.s32 $0xFFFFFF80, s30  }
0x61: {  	[tilespmem:s19], [sflag:$0x1] =	stream.indirect.gather [hbm4b:s4+s18], $0x80, s1, s18, $0xb8;
	[tilespmem:$0x1F100] =	vst v63  }
0x62: {  	_ =	swait.ge [sflag:s24], $0x4000  }
0x63: {  	[sflag:s24] =	ssyncset.done $0x0  }
0x64: {  	[sflag:s24] =	ssyncadd.s32 $0xFFFFC000  }
0x65: {  	_ =	swait.ge [sflag:s25], $0x80  }
0x66: {  	[sflag:s25] =	ssyncset.done $0x0  }
0x67: {  	[sflag:s25] =	ssyncadd.s32 $0xFFFFFF80  }
0x68: {  	[spmem:s2] =	stream.indirect.scatter.add.f32 [tilespmem:s21], [sflag:$0x5], $0x80, s17, s18, $0xb8;
	[tilespmem:$0x1F100] =	vst v63  }
.Ltmp2:
0x69: {  	_ =	swait.ge [sflag:s14], $0x4000;
	(pc) =	sbr.rel @p0 .LBB2_6-.Ltmp2, $4  }
0x6a: {  	[sflag:s14] =	ssyncset.done $0x0  }
0x6b: {  	s1 =	sadd.s32 s31, s11;
	[sflag:s14] =	ssyncadd.s32 $0xFFFFC000  }
0x6c: {  	[tilespmem:s17], [sflag:$0x4] =	stream.linear.gather [hbm4b:s1+s3], $0x80, $0x38;
	[tilespmem:$0x1F100] =	vst v63  }
0x6d: {  	s30 =	sadd.s32 $0x100, s30  }
0x6e: {  	[tilespmem:s21], [sflag:$0x2] =	stream.indirect.gather [hbm4b:s4+s18], $0x80, s28, s18, $0xb8;
	[tilespmem:$0x1F100] =	vst v63  }
0x6f: {  	_ =	swait.ge [sflag:s22], $0x4000  }
0x70: {  	[sflag:s22] =	ssyncset.done $0x0  }
0x71: {  	[sflag:s22] =	ssyncadd.s32 $0xFFFFC000  }
0x72: {  	_ =	swait.ge [sflag:s23], $0x80  }
0x73: {  	[sflag:s23] =	ssyncset.done $0x0  }
0x74: {  	[sflag:s23] =	ssyncadd.s32 $0xFFFFFF80  }
0x75: {  	[spmem:s2] =	stream.indirect.scatter.add.f32 [tilespmem:s19], [sflag:$0x5], $0x80, s16, s18, $0xb8;
	[tilespmem:$0x1F100] =	vst v63  }
0x76: {  	_ =	swait.ge [sflag:s14], $0x4000  }
0x77: {  	[sflag:s14] =	ssyncset.done $0x0  }
0x78: {  	[sflag:s14] =	ssyncadd.s32 $0xFFFFC000  }
0x79: {  	_ =	swait.ge [sflag:s24], $0x4000  }
0x7a: {  	[sflag:s24] =	ssyncset.done $0x0  }
0x7b: {  	[sflag:s24] =	ssyncadd.s32 $0xFFFFC000  }
0x7c: {  	_ =	swait.ge [sflag:s25], $0x80  }
0x7d: {  	[sflag:s25] =	ssyncset.done $0x0  }
0x7e: {  	[sflag:s25] =	ssyncadd.s32 $0xFFFFFF80  }
0x7f: {  	[spmem:s2] =	stream.indirect.scatter.add.f32 [tilespmem:s21], [sflag:$0x5], $0x80, s17, s18, $0xb8;
	[tilespmem:$0x1F100] =	vst v63  }
0x80: {  	_ =	swait.ge [sflag:s14], $0x4000  }
0x81: {  	s1 =	sshll.u32 s0, $0x6;
	s26 =	sadd.s32 $0x1, s26;
	[sflag:s14] =	ssyncset.done $0x0  }
0x82: {  	s31 =	sshrl.u32 s5, $0x3;
	p0 =	sne.s32 s26, s10;
	[sflag:s14] =	ssyncadd.s32 $0xFFFFC000  }
.Ltmp3:
0x83: {  	s1 =	sor.u32 $0x1C05, s1;
	[bflag:$0x0] =	sbarrier.arrive $0xFFFF;
	(pc) =	sbr.rel @p0 .LBB2_1-.Ltmp3, $4  }
0x84: {  	[hbm:s9], [sflag:s1] =	dma.local [spmem:s31], $0x2800  }
0x85: {  	_ =	swait.ge [sflag:s14], $0x2800  }
0x86: {  	[sflag:s14] =	ssyncset.done $0x0  }
0x87: {  	[sflag:s14] =	ssyncadd.s32 $0xFFFFD800  }
0x88: {  	_ =	sfence.sel $0x180000  }
0x89: {  	[bflag:$0x0] =	sbarrier.arrive $0xFFFF  }
0x8a: {  	_ =	strace $0x9000004A  }
0x8b: {  	[bflag:$0x2] =	sbarrier.arrive $0xFFFF  }
0x8c: {  	p0 =	sne.s32 s0, $0x0;
	s0 =	rddreg [dreg:$0x2]  }
0x8d: {  	s0 =	sadd.s32 @!p0 $0x100000, s0  }
0x8e: {  	[sflag:s0] =	ssyncadd.tile.s32 @!p0 $0x1;
	_ =	shalt  }
.Lfunc_end2:
_tile_overlayer_lowered:
.L_overlay_start_2:
0x8f: {  	(tag) =	ssettag $0x2  }
0x90: {  	s0 =	rddreg [dreg:$0x0];
	s2 =	stileid.u32  }
0x91: {  	s1 =	rddreg [dreg:$0x1];
	p0 =	sne.s32 s2, $0x0  }
0x92: {  	s3 =	rddreg [dreg:$0x2];
	[bflag:$0x3] =	sbarrier.arrive $0xFFFF;
	s2 =	simm.s32 @!p0 $0x1C05  }
0x93: {  	[timem:s3], [sflag:s2] =	dma.local @!p0 [hbm:s0], s1  }
0x94: {  	s0 =	simm.s32 @!p0 $0x5  }
0x95: {  	_ =	swait.ge @!p0 [sflag:s0], s1  }
0x96: {  	s1 =	ssub.s32 @!p0 $0x0, s1;
	[sflag:s0] =	ssyncset.done @!p0 $0x0  }
0x97: {  	[sflag:s0] =	ssyncadd.s32 @!p0 s1  }
0x98: {  	[bflag:$0x3] =	sbarrier.arrive $0xFFFF  }
0x99: {  	_ =	shalt  }

// kernel: kernel.15.cloned.1.call-start
scs
__scs_entry_jumppad:
0x0: {  	(pc) =	sbr.rel $0x88, $3  }
0x1: {  	(tag) =	ssettag $0x0;
	lr =	simm.s32 $0x1  }
0x2: {  	[smem:$0x3F98] =	sst lr;
	_ =	strace $0xD0000000  }
0x3: {  	_ = 	snop  }
0x4: {  	_ = 	snop  }
0x5: {  	_ = 	snop  }
0x6: {  	_ = 	snop  }
0x7: {  	_ = 	snop  }
__scs_overlays_trampoline_lowered:
0x8: {  	[smem:$0x3FA7] =	sst s0  }
0x9: {  	[smem:$0x3FA8] =	sst s1  }
0xa: {  	[smem:$0x3FA9] =	sst s2  }
0xb: {  	[smem:$0x3FAA] =	sst s3  }
0xc: {  	[smem:$0x3FAB] =	sst s4  }
0xd: {  	[smem:$0x3FAC] =	sst s5  }
0xe: {  	[smem:$0x3FAD] =	sst s6  }
0xf: {  	[smem:$0x3FAE] =	sst s7  }
0x10: {  	[smem:$0x3FAF] =	sst s8  }
0x11: {  	[smem:$0x3FB0] =	sst s9;
	s0 =	simm.s32 @!p0 $0x0  }
0x12: {  	s1 =	sld [smem:$0x3F96];
	s0 =	simm.s32 @p0 $0x1  }
0x13: {  	[smem:$0x3FB1] =	sst s0;
	s0 =	simm.s32 @!p1 $0x0  }
0x14: {  	s2 =	sld [smem:$0x3F95];
	s0 =	simm.s32 @p1 $0x1  }
0x15: {  	[smem:$0x3FB2] =	sst s0;
	s0 =	simm.s32 @!p2 $0x0  }
0x16: {  	s3 =	sld [smem:$0x3FDB];
	s0 =	simm.s32 @p2 $0x1  }
0x17: {  	s4 =	simm.s32 $0x1BF5;
	[smem:$0x3FB4] =	sst s0  }
0x18: {  	s0 =	sld [smem:$0x3F97];
	_ =	swait.ge [sflag:s4], $0x0  }
0x19: {  	s7 =	sld [smem:$0x3F98]  }
0x1a: {  	s8 =	sadd.s32 $0xFFFFE003, lr  }
0x1b: {  	s9 =	sadd.s32 $0xFFFFFEF7, lr;
	s5 =	simm.s32 $0xFFFFFFFF;
	p2 =	slt.u32 s8, $0xFFFFF086  }
0x1c: {  	p1 =	slt.u32 s9, $0xF7A;
	s5 =	simm.s32 @!p2 $0x0  }
0x1d: {  	s5 =	simm.s32 @p1 $0x1;
	p0 =	seq.s32 s7, s2  }
0x1e: {  	s7 =	smul.u32 @!p0 $0xF7A, s2;
	p2 =	seq.s32 @!p0 s5, $0x0  }
0x1f: {  	s9 =	smul.u32 $0xF7A, s1;
	s8 =	simm.s32 @!p0 $0x1BF5;
	p2 =	por !p2, p0  }
0x20: {  	[sflag:s8] =	ssyncset.s32 @!p0 $0xFFFFF086;
	s6 =	sadd.s32 @!p0 s3, s7;
	s7 =	simm.s32 @!p0 $0x108  }
0x21: {  	s3 =	sadd.s32 s3, s9;
	s6 =	sadd.s32 @!p0 $0x88, s6;
	s7 =	simm.s32 @p2 $0x1082  }
0x22: {  	[simem:s7], [sflag:s8] =	dma.local @!p0 [hbm:s6], $0xF7A  }
0x23: {  	s9 =	sor.u32 $0xD0000000, s2;
	s6 =	simm.s32 $0x108;
	_ =	swait.ge @!p0 [sflag:s8], $0x0  }
0x24: {  	s3 =	sadd.s32 $0x88, s3;
	s6 =	simm.s32 @!p1 $0x1082;
	[sflag:s4] =	ssyncset.s32 $0xFFFFF086  }
0x25: {  	[simem:s6], [sflag:s4] =	dma.local [hbm:s3], $0xF7A  }
0x26: {  	[smem:$0x3F98] =	sst s1;
	(tag) =	ssettag s2;
	_ =	strace s9  }
0x27: {  	s1 =	sld [smem:$0x3FA8]  }
0x28: {  	s2 =	sld [smem:$0x3FA9]  }
0x29: {  	s4 =	sld [smem:$0x3FAB]  }
0x2a: {  	p0 =	seq.s32 s5, $0x0;
	s5 =	sld [smem:$0x3FAC]  }
0x2b: {  	s6 =	sld [smem:$0x3FAD]  }
0x2c: {  	s7 =	sld [smem:$0x3FAE]  }
0x2d: {  	s3 =	simm.s32 $0x108;
	s8 =	sld [smem:$0x3FAF]  }
0x2e: {  	s3 =	simm.s32 @!p0 $0x1082;
	s9 =	sld [smem:$0x3FB0]  }
0x2f: {  	lr =	sadd.s32 s0, s3;
	s0 =	sld [smem:$0x3FA7]  }
0x30: {  	s3 =	sld [smem:$0x3FAA]  }
0x31: {  	[smem:$0x3FB3] =	sst s10  }
0x32: {  	s10 =	sld [smem:$0x3FB1];
	_ =	sdelay $0x3  }
0x33: {  	p0 =	seq.s32 s10, $0x1;
	s10 =	sld [smem:$0x3FB3];
	_ =	sdelay $0x3  }
0x34: {  	[smem:$0x3FB3] =	sst s10  }
0x35: {  	s10 =	sld [smem:$0x3FB2];
	_ =	sdelay $0x3  }
0x36: {  	p1 =	seq.s32 s10, $0x1;
	s10 =	sld [smem:$0x3FB3];
	_ =	sdelay $0x3  }
0x37: {  	[smem:$0x3FB3] =	sst s10  }
0x38: {  	s10 =	sld [smem:$0x3FB4]  }
0x39: {  	_ = 	snop;
	(pc) =	sbr.ind lr, $3  }
0x3a: {  	_ = 	snop  }
0x3b: {  	_ = 	snop  }
0x3c: {  	p2 =	seq.s32 s10, $0x1;
	s10 =	sld [smem:$0x3FB3]  }
0x3d: {  	_ =	shalt  }
0x3e: {  	_ =	shalt  }
0x3f: {  	_ =	shalt  }
0x40: {  	_ =	shalt  }
0x41: {  	_ =	shalt  }
0x42: {  	_ =	shalt  }
0x43: {  	_ =	shalt  }
0x44: {  	_ =	shalt  }
0x45: {  	_ =	shalt  }
0x46: {  	_ =	shalt  }
0x47: {  	_ =	shalt  }
0x48: {  	_ =	shalt  }
0x49: {  	_ =	shalt  }
0x4a: {  	_ =	shalt  }
0x4b: {  	_ =	shalt  }
0x4c: {  	_ =	shalt  }
0x4d: {  	_ =	shalt  }
0x4e: {  	_ =	shalt  }
0x4f: {  	_ =	shalt  }
0x50: {  	_ =	shalt  }
0x51: {  	_ =	shalt  }
0x52: {  	_ =	shalt  }
0x53: {  	_ =	shalt  }
0x54: {  	_ =	shalt  }
0x55: {  	_ =	shalt  }
0x56: {  	_ =	shalt  }
0x57: {  	_ =	shalt  }
0x58: {  	_ =	shalt  }
0x59: {  	_ =	shalt  }
0x5a: {  	_ =	shalt  }
0x5b: {  	_ =	shalt  }
0x5c: {  	_ =	shalt  }
0x5d: {  	_ =	shalt  }
0x5e: {  	_ =	shalt  }
0x5f: {  	_ =	shalt  }
0x60: {  	_ =	shalt  }
0x61: {  	_ =	shalt  }
0x62: {  	_ =	shalt  }
0x63: {  	_ =	shalt  }
0x64: {  	_ =	shalt  }
0x65: {  	_ =	shalt  }
0x66: {  	_ =	shalt  }
0x67: {  	_ =	shalt  }
0x68: {  	_ =	shalt  }
0x69: {  	_ =	shalt  }
0x6a: {  	_ =	shalt  }
0x6b: {  	_ =	shalt  }
0x6c: {  	_ =	shalt  }
0x6d: {  	_ =	shalt  }
0x6e: {  	_ =	shalt  }
0x6f: {  	_ =	shalt  }
0x70: {  	_ =	shalt  }
0x71: {  	_ =	shalt  }
0x72: {  	_ =	shalt  }
0x73: {  	_ =	shalt  }
0x74: {  	_ =	shalt  }
0x75: {  	_ =	shalt  }
0x76: {  	_ =	shalt  }
0x77: {  	_ =	shalt  }
0x78: {  	_ =	shalt  }
0x79: {  	_ =	shalt  }
0x7a: {  	_ =	shalt  }
0x7b: {  	_ =	shalt  }
0x7c: {  	_ =	shalt  }
0x7d: {  	_ =	shalt  }
0x7e: {  	_ =	shalt  }
0x7f: {  	_ =	shalt  }
0x80: {  	_ =	shalt  }
0x81: {  	_ =	shalt  }
0x82: {  	_ =	shalt  }
0x83: {  	_ =	shalt  }
0x84: {  	_ =	shalt  }
0x85: {  	_ =	shalt  }
0x86: {  	_ =	shalt  }
0x87: {  	_ =	shalt  }
.Lfunc_end0:
.L_simem_size_0:
called_computation.2_lowered:
.L_overlay_start_0:
0x88: {  	s2 =	sld [smem:$0x3FD9]  }
0x89: {  	s3 =	sld [smem:$0x3FFE];
	_ =	sdelay $0x1  }
0x8a: {  	s1 =	srdreg.scid  }
0x8b: {  	s0 =	sand.u32 $0x1, s1  }
0x8c: {  	s16 =	sshll.u32 s0, $0xA;
	s2 =	sadd.s32 s3, s2  }
0x8d: {  	s2 =	sadd.s32 s2, s16  }
0x8e: {  	[smem:$0x3FBF] =	sst s2  }
0x8f: {  	_ = 	snop  }
0x90: {  	(tm) =	ssettm $0x1  }
0x91: {  	s17 =	sld [smem:$0x3FFB];
	_ =	sdelay $0x3  }
0x92: {  	_ =	strace s17  }
0x93: {  	s2 =	sld [smem:$0x3FFC];
	_ =	sdelay $0x3  }
0x94: {  	_ =	strace s2  }
0x95: {  	s2 =	sld [smem:$0x3FFD];
	_ =	sdelay $0x3  }
0x96: {  	_ =	strace s2  }
0x97: {  	_ =	strace $0x8FFFFFFF  }
0x98: {  	s18 =	sld [smem:$0x3FDB];
	_ =	sdelay $0x1  }
0x99: {  	s19 =	simm.s32 $_scs_section_size  }
0x9a: {  	s4 =	simm.s32 $_size__tile_overlayer_lowered;
	s5 =	simm.s32 $_tile_overlayer_lowered  }
0x9b: {  	s22 =	simm.s32 $0x1BFF;
	s21 =	sshll.u32 s5, $0x1;
	s2 =	sadd.s32 s19, s18  }
0x9c: {  	s6 =	simm.s32 $0x0;
	s20 =	sshll.u32 s4, $0x1;
	s4 =	sadd.s32 s21, s2  }
0x9d: {  	[timem:s6], [sflag:s22] =	dma.local [hbm:s4], s20  }
0x9e: {  	_ =	swait.ge [sflag:s22], s20  }
0x9f: {  	s3 =	ssub.s32 $0x0, s20;
	[sflag:s22] =	ssyncset.done $0x0  }
0xa0: {  	[sflag:s22] =	ssyncadd.s32 s3;
	_ =	sdelay $0x1  }
0xa1: {  	s23 =	simm.s32 $0x1B8B  }
0xa2: {  	_ =	swait.ge [sflag:s23], $0x1  }
0xa3: {  	[sflag:s23] =	ssyncset.done $0x0  }
0xa4: {  	s25 =	simm.s32 $0x1B8E;
	s24 =	sld [smem:$0x3FFE];
	[sflag:s23] =	ssyncadd.s32 $0xFFFFFFFF  }
0xa5: {  	s26 =	simm.s32 $execute0_lowered;
	[smem:$0x3FD2] =	sst s25  }
0xa6: {  	s4 =	sshll.u32 s26, $0x1;
	_ =	strace $0x8000004C;
	[dreg:$0x1] =	wrdreg $0xFFFFFFFF  }
0xa7: {  	s28 =	simm.s32 $_size_execute0_lowered;
	s2 =	sadd.s32 s2, s4;
	[dreg:$0x0] =	wrdreg $0x0  }
0xa8: {  	s4 =	sshll.u32 s28, $0x1;
	[dreg:$0x2] =	wrdreg s2  }
0xa9: {  	[dreg:$0x3] =	wrdreg s4  }
0xaa: {  	[dreg:$0x4] =	wrdreg $0xC0  }
0xab: {  	_ =	task [dreg:s6], $0x5FFFF  }
0xac: {  	[dreg:$0x1] =	wrdreg $0xFFFFFFFF  }
0xad: {  	[dreg:$0x0] =	wrdreg $0x60  }
0xae: {  	[dreg:$0x2] =	wrdreg s24  }
0xaf: {  	[dreg:$0x3] =	wrdreg $0x0  }
0xb0: {  	[dreg:$0x4] =	wrdreg $0x9  }
0xb1: {  	_ =	task.clear_ibuf [dreg:s6], $0x5FFFF;
	_ =	strace $0x9000004C  }
0xb2: {  	s29 =	simm.s32 $0x9;
	_ =	strace $0x8000004E  }
0xb3: {  	_ =	swait.ge [sflag:s29], $0x1  }
0xb4: {  	[sflag:s29] =	ssyncadd.s32 $0xFFFFFFFF  }
0xb5: {  	_ =	strace $0x9000004E  }
0xb6: {  	_ =	sfence  }
0xb7: {  	s30 =	sld [smem:$0x0];
	_ =	sdelay $0x2  }
0xb8: {  	s31 =	sshll.u32 s1, $0xD;
	s1 =	sshrl.u32 s1, $0x2  }
0xb9: {  	s3 =	sand.u32 $0x4000, s31;
	s1 =	sadd.s32 s1, s30  }
0xba: {  	s0 =	sor.u32 s3, s0;
	s1 =	sshll.u32 s1, $0x11  }
0xbb: {  	s0 =	sor.u32 s1, s0  }
0xbc: {  	s0 =	sadd.s32 $0x8F2B, s0  }
0xbd: {  	[sflag:s0] =	ssyncadd.remote.s32 $0x1  }
0xbe: {  	_ =	sfence.sel $0xFFFF  }
0xbf: {  	[dreg:$0x0] =	wrdreg $0xFFFFFFFF;
	(pc) =	sbr.abs _section_cstart, $3  }
0xc0: {  	[dreg:$0x1] =	wrdreg $0xFFFFFFFF  }
0xc1: {  	_ =	task.clear_ibuf [dreg:s6], $0x2FFFF;
	_ =	strace $0x9FFFFFFF  }
0xc2: {  	(tm) =	ssettm $0x7FFFFFFF  }
0xc3: {  	_ =	shalt  }
tec
execute0_lowered:
.L_overlay_start_1:
0x0: {  	(tag) =	ssettag $0x1  }
0x1: {  	s6 =	rddreg [dreg:$0x0]  }
0x2: {  	s0 =	srdreg.scid;
	s2 =	rddreg [dreg:$0x1]  }
0x3: {  	s3 =	simm.s32 $0x0;
	s16 =	simm.s32 $0x17000;
	s17 =	simm.s32 $0x17080  }
0x4: {  	s18 =	simm.s32 $0x80;
	s19 =	simm.s32 $0x17100;
	s20 =	simm.s32 $0x14880  }
0x5: {  	s21 =	simm.s32 $0x1B100;
	s22 =	simm.s32 $0x1;
	s5 =	sand.u32 $0x1, s0  }
0x6: {  	s23 =	simm.s32 $0x3;
	s0 =	stileid.u32;
	s8 =	smul.u32 $0x140000, s5  }
0x7: {  	s24 =	simm.s32 $0x2;
	[smem:$0x7FF] =	sst s3;
	s10 =	smul.u32 $0x14000, s0  }
0x8: {  	s12 =	sadd.s32 $0xDC00, s6;
	s1 =	sshll.u32 s5, $0x4;
	s11 =	smul.u32 $0x50000, s0  }
0x9: {  	_ =	strace $0x8000004D;
	s25 =	ssub.s32 $0x2, s5;
	s13 =	smul.u32 $0x28000, s5  }
0xa: {  	s14 =	smul.u32 $0x2800, s0;
	s1 =	sor.u32 s0, s1;
	s28 =	sshrl.u32 s25, $0x1  }
0xb: {  	s4 =	smul.u32 $0x2800, s1;
	s8 =	sadd.s32 s10, s8;
	s10 =	ssub.s32 s25, s28  }
0xc: {  	s29 =	sshrl.u32 s11, $0x2;
	s30 =	sadd.s32 s14, s13;
	s25 =	simm.s32 $0x4  }
0xd: {  	s26 =	sshrl.u32 s8, $0x3;
	s5 =	sadd.s32 s29, s2;
	s13 =	sor.u32 $0x180, s30  }
0xe: {  	s14 =	sor.u32 $0x100, s30;
	s10 =	smax.u32 s10, $0x1;
	s7 =	sshrl.u32 s4, $0x3  }
0xf: {  	s4 =	sadd.s32 $0x66000, s6;
	s15 =	sadd.s32 s26, s6;
	s13 =	sshrl.u32 s13, $0x3  }
0x10: {  	s31 =	sshrl.u32 s14, $0x3;
	s14 =	simm.s32 $0x5;
	s26 =	simm.s32 $0x0  }
0x11: {  	s9 =	sadd.s32 s7, s6;
	s6 =	sadd.s32 s12, s7;
	s11 =	sadd.s32 s13, s12  }
0x12: {  	s12 =	sadd.s32 s31, s12;
	s13 =	simm.s32 $0x14000;
	s7 =	sadd.s32 $0x3C00, s9  }
0x13: {  	v0 =	vimm.f32 $0.0e+00;
	s8 =	sadd.s32 $0x10, s6;
	s9 =	sadd.s32 $0x8D200, s15;
	s15 =	simm.s32 $0x14800  }
.LBB2_1:
0x14: {  	s28 =	simm.s32 $0x0;
	s29 =	simm.s32 $0x200  }
.LBB2_2:
0x15: {  	p0 =	sne.s32 s29, $0x1E00;
	[tilespmem:s28+$0x14070] =	vst v0  }
0x16: {  	[tilespmem:s28+$0x14000] =	vst v0  }
0x17: {  	[tilespmem:s28+$0x14010] =	vst v0  }
.Ltmp0:
0x18: {  	[tilespmem:s28+$0x14020] =	vst v0;
	(pc) =	sbr.rel @p0 .LBB2_2-.Ltmp0, $4  }
0x19: {  	[tilespmem:s28+$0x14030] =	vst v0  }
0x1a: {  	[tilespmem:s28+$0x14040] =	vst v0  }
0x1b: {  	[tilespmem:s28+$0x14050] =	vst v0  }
0x1c: {  	[tilespmem:s28+$0x14060] =	vst v0;
	s28 =	sshra.s32 s29, $0x2;
	s29 =	sadd.s32 $0x200, s29  }
0x1d: {  	[tilespmem:s28+$0x14070] =	vst v0  }
0x1e: {  	[tilespmem:s28+$0x14000] =	vst v0  }
0x1f: {  	[tilespmem:s28+$0x14010] =	vst v0  }
0x20: {  	[tilespmem:s28+$0x14020] =	vst v0  }
0x21: {  	[tilespmem:s28+$0x14030] =	vst v0  }
0x22: {  	[tilespmem:s28+$0x14040] =	vst v0  }
0x23: {  	[tilespmem:s28+$0x14050] =	vst v0  }
0x24: {  	[tilespmem:s28+$0x14060] =	vst v0;
	s28 =	sadd.s32 $0x0, s5  }
0x25: {  	[spmem:s28] =	stream.linear.scatter [tilespmem:s13], [sflag:$0x5], $0x800, $0x38;
	[tilespmem:$0x1F100] =	vst v63  }
0x26: {  	s28 =	simm.s32 $0x2000;
	_ =	swait.ge [sflag:s14], $0x800  }
.LBB2_4:
0x27: {  	s29 =	sshra.s32 s28, $0x2;
	[sflag:s14] =	ssyncset.done $0x0;
	p0 =	sne.s32 s28, $0x4E000  }
.Ltmp1:
0x28: {  	s29 =	sadd.s32 s29, s5;
	[sflag:s14] =	ssyncadd.s32 $0xFFFFF800;
	(pc) =	sbr.rel @p0 .LBB2_4-.Ltmp1, $3  }
0x29: {  	[spmem:s29] =	stream.linear.scatter [tilespmem:s13], [sflag:$0x5], $0x800, $0x38;
	[tilespmem:$0x1F100] =	vst v63  }
0x2a: {  	s28 =	sadd.s32 $0x2000, s28;
	_ =	sdelay $0x1  }
0x2b: {  	_ =	swait.ge [sflag:s14], $0x800  }
0x2c: {  	[sflag:s14] =	ssyncset.done $0x0  }
0x2d: {  	s28 =	simm.s32 $0x0;
	[sflag:s14] =	ssyncadd.s32 $0xFFFFF800  }
0x2e: {  	[tilespmem:s15], [sflag:$0x5] =	stream.linear.gather [hbm4b:s7+s28], $0x2800, $0x38;
	[tilespmem:$0x1F100] =	vst v63  }
0x2f: {  	_ =	swait.ge [sflag:s14], $0x2800  }
0x30: {  	[sflag:s14] =	ssyncset.done $0x0  }
0x31: {  	[sflag:s14] =	ssyncadd.s32 $0xFFFFD800  }
0x32: {  	[bflag:$0x0] =	sbarrier.arrive $0xFFFF  }
0x33: {  	[tilespmem:s16], [sflag:$0x3] =	stream.linear.gather [hbm4b:s6+s28], $0x80, $0x38;
	[tilespmem:$0x1F100] =	vst v63  }
0x34: {  	_ = 	snop  }
0x35: {  	[tilespmem:s17], [sflag:$0x4] =	stream.linear.gather [hbm4b:s8+s28], $0x80, $0x38;
	[tilespmem:$0x1F100] =	vst v63  }
0x36: {  	_ = 	snop  }
0x37: {  	[tilespmem:s19], [sflag:$0x1] =	stream.indirect.gather [hbm4b:s4+s18], $0x80, s15, s18, $0xb8;
	[tilespmem:$0x1F100] =	vst v63  }
0x38: {  	_ = 	snop  }
0x39: {  	[tilespmem:s21], [sflag:$0x2] =	stream.indirect.gather [hbm4b:s4+s18], $0x80, s20, s18, $0xb8;
	[tilespmem:$0x1F100] =	vst v63  }
0x3a: {  	_ =	swait.ge [sflag:s22], $0x4000  }
0x3b: {  	[sflag:s22] =	ssyncset.done $0x0  }
0x3c: {  	[sflag:s22] =	ssyncadd.s32 $0xFFFFC000  }
0x3d: {  	_ =	swait.ge [sflag:s23], $0x80  }
0x3e: {  	[sflag:s23] =	ssyncset.done $0x0  }
0x3f: {  	[sflag:s23] =	ssyncadd.s32 $0xFFFFFF80  }
0x40: {  	[spmem:s2] =	stream.indirect.scatter.add.f32 [tilespmem:s19], [sflag:$0x5], $0x80, s16, s18, $0xb8;
	[tilespmem:$0x1F100] =	vst v63  }
0x41: {  	_ =	swait.ge [sflag:s14], $0x4000  }
0x42: {  	[sflag:s14] =	ssyncset.done $0x0  }
0x43: {  	s28 =	sadd.s32 $0x0, s12;
	[sflag:s14] =	ssyncadd.s32 $0xFFFFC000  }
0x44: {  	[tilespmem:s16], [sflag:$0x3] =	stream.linear.gather [hbm4b:s28+s3], $0x80, $0x38;
	[tilespmem:$0x1F100] =	vst v63  }
0x45: {  	s28 =	simm.s32 $0x14900  }
0x46: {  	[tilespmem:s19], [sflag:$0x1] =	stream.indirect.gather [hbm4b:s4+s18], $0x80, s28, s18, $0xb8;
	[tilespmem:$0x1F100] =	vst v63  }
0x47: {  	_ =	swait.ge [sflag:s24], $0x4000  }
0x48: {  	[sflag:s24] =	ssyncset.done $0x0  }
0x49: {  	[sflag:s24] =	ssyncadd.s32 $0xFFFFC000  }
0x4a: {  	_ =	swait.ge [sflag:s25], $0x80  }
0x4b: {  	[sflag:s25] =	ssyncset.done $0x0  }
0x4c: {  	[sflag:s25] =	ssyncadd.s32 $0xFFFFFF80  }
0x4d: {  	[spmem:s2] =	stream.indirect.scatter.add.f32 [tilespmem:s21], [sflag:$0x5], $0x80, s17, s18, $0xb8;
	[tilespmem:$0x1F100] =	vst v63  }
0x4e: {  	_ =	swait.ge [sflag:s14], $0x4000  }
0x4f: {  	[sflag:s14] =	ssyncset.done $0x0  }
0x50: {  	s28 =	sadd.s32 $0x0, s11;
	[sflag:s14] =	ssyncadd.s32 $0xFFFFC000  }
0x51: {  	[tilespmem:s17], [sflag:$0x4] =	stream.linear.gather [hbm4b:s28+s3], $0x80, $0x38;
	[tilespmem:$0x1F100] =	vst v63  }
0x52: {  	s29 =	simm.s32 $0x20;
	s30 =	simm.s32 $0x14A80;
	s28 =	simm.s32 $0x14980  }
.LBB2_6:
0x53: {  	[tilespmem:s21], [sflag:$0x2] =	stream.indirect.gather [hbm4b:s4+s18], $0x80, s28, s18, $0xb8;
	[tilespmem:$0x1F100] =	vst v63  }
0x54: {  	s31 =	smov.u32 s29;
	s28 =	smov.u32 s30  }
0x55: {  	p0 =	sne.s32 s29, $0x4C0;
	s29 =	sadd.s32 $0x20, s29;
	_ =	swait.ge [sflag:s22], $0x4000  }
0x56: {  	[sflag:s22] =	ssyncset.done $0x0  }
0x57: {  	[sflag:s22] =	ssyncadd.s32 $0xFFFFC000  }
0x58: {  	_ =	swait.ge [sflag:s23], $0x80  }
0x59: {  	[sflag:s23] =	ssyncset.done $0x0  }
0x5a: {  	[sflag:s23] =	ssyncadd.s32 $0xFFFFFF80  }
0x5b: {  	[spmem:s2] =	stream.indirect.scatter.add.f32 [tilespmem:s19], [sflag:$0x5], $0x80, s16, s18, $0xb8;
	[tilespmem:$0x1F100] =	vst v63  }
0x5c: {  	_ =	swait.ge [sflag:s14], $0x4000  }
0x5d: {  	[sflag:s14] =	ssyncset.done $0x0  }
0x5e: {  	s1 =	sadd.s32 s31, s12;
	[sflag:s14] =	ssyncadd.s32 $0xFFFFC000  }
0x5f: {  	[tilespmem:s16], [sflag:$0x3] =	stream.linear.gather [hbm4b:s1+s3], $0x80, $0x38;
	[tilespmem:$0x1F100] =	vst v63  }
0x60: {  	s1 =	sadd.s32 $0xFFFFFF80, s30  }
0x61: {  	[tilespmem:s19], [sflag:$0x1] =	stream.indirect.gather [hbm4b:s4+s18], $0x80, s1, s18, $0xb8;
	[tilespmem:$0x1F100] =	vst v63  }
0x62: {  	_ =	swait.ge [sflag:s24], $0x4000  }
0x63: {  	[sflag:s24] =	ssyncset.done $0x0  }
0x64: {  	[sflag:s24] =	ssyncadd.s32 $0xFFFFC000  }
0x65: {  	_ =	swait.ge [sflag:s25], $0x80  }
0x66: {  	[sflag:s25] =	ssyncset.done $0x0  }
0x67: {  	[sflag:s25] =	ssyncadd.s32 $0xFFFFFF80  }
0x68: {  	[spmem:s2] =	stream.indirect.scatter.add.f32 [tilespmem:s21], [sflag:$0x5], $0x80, s17, s18, $0xb8;
	[tilespmem:$0x1F100] =	vst v63  }
.Ltmp2:
0x69: {  	_ =	swait.ge [sflag:s14], $0x4000;
	(pc) =	sbr.rel @p0 .LBB2_6-.Ltmp2, $4  }
0x6a: {  	[sflag:s14] =	ssyncset.done $0x0  }
0x6b: {  	s1 =	sadd.s32 s31, s11;
	[sflag:s14] =	ssyncadd.s32 $0xFFFFC000  }
0x6c: {  	[tilespmem:s17], [sflag:$0x4] =	stream.linear.gather [hbm4b:s1+s3], $0x80, $0x38;
	[tilespmem:$0x1F100] =	vst v63  }
0x6d: {  	s30 =	sadd.s32 $0x100, s30  }
0x6e: {  	[tilespmem:s21], [sflag:$0x2] =	stream.indirect.gather [hbm4b:s4+s18], $0x80, s28, s18, $0xb8;
	[tilespmem:$0x1F100] =	vst v63  }
0x6f: {  	_ =	swait.ge [sflag:s22], $0x4000  }
0x70: {  	[sflag:s22] =	ssyncset.done $0x0  }
0x71: {  	[sflag:s22] =	ssyncadd.s32 $0xFFFFC000  }
0x72: {  	_ =	swait.ge [sflag:s23], $0x80  }
0x73: {  	[sflag:s23] =	ssyncset.done $0x0  }
0x74: {  	[sflag:s23] =	ssyncadd.s32 $0xFFFFFF80  }
0x75: {  	[spmem:s2] =	stream.indirect.scatter.add.f32 [tilespmem:s19], [sflag:$0x5], $0x80, s16, s18, $0xb8;
	[tilespmem:$0x1F100] =	vst v63  }
0x76: {  	_ =	swait.ge [sflag:s14], $0x4000  }
0x77: {  	[sflag:s14] =	ssyncset.done $0x0  }
0x78: {  	[sflag:s14] =	ssyncadd.s32 $0xFFFFC000  }
0x79: {  	_ =	swait.ge [sflag:s24], $0x4000  }
0x7a: {  	[sflag:s24] =	ssyncset.done $0x0  }
0x7b: {  	[sflag:s24] =	ssyncadd.s32 $0xFFFFC000  }
0x7c: {  	_ =	swait.ge [sflag:s25], $0x80  }
0x7d: {  	[sflag:s25] =	ssyncset.done $0x0  }
0x7e: {  	[sflag:s25] =	ssyncadd.s32 $0xFFFFFF80  }
0x7f: {  	[spmem:s2] =	stream.indirect.scatter.add.f32 [tilespmem:s21], [sflag:$0x5], $0x80, s17, s18, $0xb8;
	[tilespmem:$0x1F100] =	vst v63  }
0x80: {  	_ =	swait.ge [sflag:s14], $0x4000  }
0x81: {  	s1 =	sshll.u32 s0, $0x6;
	s26 =	sadd.s32 $0x1, s26;
	[sflag:s14] =	ssyncset.done $0x0  }
0x82: {  	s31 =	sshrl.u32 s5, $0x3;
	p0 =	sne.s32 s26, s10;
	[sflag:s14] =	ssyncadd.s32 $0xFFFFC000  }
.Ltmp3:
0x83: {  	s1 =	sor.u32 $0x1C05, s1;
	[bflag:$0x0] =	sbarrier.arrive $0xFFFF;
	(pc) =	sbr.rel @p0 .LBB2_1-.Ltmp3, $4  }
0x84: {  	[hbm:s9], [sflag:s1] =	dma.local [spmem:s31], $0x2800  }
0x85: {  	_ =	swait.ge [sflag:s14], $0x2800  }
0x86: {  	[sflag:s14] =	ssyncset.done $0x0  }
0x87: {  	[sflag:s14] =	ssyncadd.s32 $0xFFFFD800  }
0x88: {  	_ =	sfence.sel $0x180000  }
0x89: {  	[bflag:$0x0] =	sbarrier.arrive $0xFFFF  }
0x8a: {  	_ =	strace $0x9000004D  }
0x8b: {  	[bflag:$0x2] =	sbarrier.arrive $0xFFFF  }
0x8c: {  	p0 =	sne.s32 s0, $0x0;
	s0 =	rddreg [dreg:$0x2]  }
0x8d: {  	s0 =	sadd.s32 @!p0 $0x100000, s0  }
0x8e: {  	[sflag:s0] =	ssyncadd.tile.s32 @!p0 $0x1;
	_ =	shalt  }
.Lfunc_end2:
_tile_overlayer_lowered:
.L_overlay_start_2:
0x8f: {  	(tag) =	ssettag $0x2  }
0x90: {  	s0 =	rddreg [dreg:$0x0];
	s2 =	stileid.u32  }
0x91: {  	s1 =	rddreg [dreg:$0x1];
	p0 =	sne.s32 s2, $0x0  }
0x92: {  	s3 =	rddreg [dreg:$0x2];
	[bflag:$0x3] =	sbarrier.arrive $0xFFFF;
	s2 =	simm.s32 @!p0 $0x1C05  }
0x93: {  	[timem:s3], [sflag:s2] =	dma.local @!p0 [hbm:s0], s1  }
0x94: {  	s0 =	simm.s32 @!p0 $0x5  }
0x95: {  	_ =	swait.ge @!p0 [sflag:s0], s1  }
0x96: {  	s1 =	ssub.s32 @!p0 $0x0, s1;
	[sflag:s0] =	ssyncset.done @!p0 $0x0  }
0x97: {  	[sflag:s0] =	ssyncadd.s32 @!p0 s1  }
0x98: {  	[bflag:$0x3] =	sbarrier.arrive $0xFFFF  }
0x99: {  	_ =	shalt  }

// kernel: kernel.9.cloned.1.call-start
scs
__scs_entry_jumppad:
0x0: {  	(pc) =	sbr.rel $0x88, $3  }
0x1: {  	(tag) =	ssettag $0x0;
	lr =	simm.s32 $0x1  }
0x2: {  	[smem:$0x3F98] =	sst lr;
	_ =	strace $0xD0000000  }
0x3: {  	_ = 	snop  }
0x4: {  	_ = 	snop  }
0x5: {  	_ = 	snop  }
0x6: {  	_ = 	snop  }
0x7: {  	_ = 	snop  }
__scs_overlays_trampoline_lowered:
0x8: {  	[smem:$0x3FA7] =	sst s0  }
0x9: {  	[smem:$0x3FA8] =	sst s1  }
0xa: {  	[smem:$0x3FA9] =	sst s2  }
0xb: {  	[smem:$0x3FAA] =	sst s3  }
0xc: {  	[smem:$0x3FAB] =	sst s4  }
0xd: {  	[smem:$0x3FAC] =	sst s5  }
0xe: {  	[smem:$0x3FAD] =	sst s6  }
0xf: {  	[smem:$0x3FAE] =	sst s7  }
0x10: {  	[smem:$0x3FAF] =	sst s8  }
0x11: {  	[smem:$0x3FB0] =	sst s9;
	s0 =	simm.s32 @!p0 $0x0  }
0x12: {  	s1 =	sld [smem:$0x3F96];
	s0 =	simm.s32 @p0 $0x1  }
0x13: {  	[smem:$0x3FB1] =	sst s0;
	s0 =	simm.s32 @!p1 $0x0  }
0x14: {  	s2 =	sld [smem:$0x3F95];
	s0 =	simm.s32 @p1 $0x1  }
0x15: {  	[smem:$0x3FB2] =	sst s0;
	s0 =	simm.s32 @!p2 $0x0  }
0x16: {  	s3 =	sld [smem:$0x3FDB];
	s0 =	simm.s32 @p2 $0x1  }
0x17: {  	s4 =	simm.s32 $0x1BF5;
	[smem:$0x3FB4] =	sst s0  }
0x18: {  	s0 =	sld [smem:$0x3F97];
	_ =	swait.ge [sflag:s4], $0x0  }
0x19: {  	s7 =	sld [smem:$0x3F98]  }
0x1a: {  	s8 =	sadd.s32 $0xFFFFE003, lr  }
0x1b: {  	s9 =	sadd.s32 $0xFFFFFEF7, lr;
	s5 =	simm.s32 $0xFFFFFFFF;
	p2 =	slt.u32 s8, $0xFFFFF086  }
0x1c: {  	p1 =	slt.u32 s9, $0xF7A;
	s5 =	simm.s32 @!p2 $0x0  }
0x1d: {  	s5 =	simm.s32 @p1 $0x1;
	p0 =	seq.s32 s7, s2  }
0x1e: {  	s7 =	smul.u32 @!p0 $0xF7A, s2;
	p2 =	seq.s32 @!p0 s5, $0x0  }
0x1f: {  	s9 =	smul.u32 $0xF7A, s1;
	s8 =	simm.s32 @!p0 $0x1BF5;
	p2 =	por !p2, p0  }
0x20: {  	[sflag:s8] =	ssyncset.s32 @!p0 $0xFFFFF086;
	s6 =	sadd.s32 @!p0 s3, s7;
	s7 =	simm.s32 @!p0 $0x108  }
0x21: {  	s3 =	sadd.s32 s3, s9;
	s6 =	sadd.s32 @!p0 $0x88, s6;
	s7 =	simm.s32 @p2 $0x1082  }
0x22: {  	[simem:s7], [sflag:s8] =	dma.local @!p0 [hbm:s6], $0xF7A  }
0x23: {  	s9 =	sor.u32 $0xD0000000, s2;
	s6 =	simm.s32 $0x108;
	_ =	swait.ge @!p0 [sflag:s8], $0x0  }
0x24: {  	s3 =	sadd.s32 $0x88, s3;
	s6 =	simm.s32 @!p1 $0x1082;
	[sflag:s4] =	ssyncset.s32 $0xFFFFF086  }
0x25: {  	[simem:s6], [sflag:s4] =	dma.local [hbm:s3], $0xF7A  }
0x26: {  	[smem:$0x3F98] =	sst s1;
	(tag) =	ssettag s2;
	_ =	strace s9  }
0x27: {  	s1 =	sld [smem:$0x3FA8]  }
0x28: {  	s2 =	sld [smem:$0x3FA9]  }
0x29: {  	s4 =	sld [smem:$0x3FAB]  }
0x2a: {  	p0 =	seq.s32 s5, $0x0;
	s5 =	sld [smem:$0x3FAC]  }
0x2b: {  	s6 =	sld [smem:$0x3FAD]  }
0x2c: {  	s7 =	sld [smem:$0x3FAE]  }
0x2d: {  	s3 =	simm.s32 $0x108;
	s8 =	sld [smem:$0x3FAF]  }
0x2e: {  	s3 =	simm.s32 @!p0 $0x1082;
	s9 =	sld [smem:$0x3FB0]  }
0x2f: {  	lr =	sadd.s32 s0, s3;
	s0 =	sld [smem:$0x3FA7]  }
0x30: {  	s3 =	sld [smem:$0x3FAA]  }
0x31: {  	[smem:$0x3FB3] =	sst s10  }
0x32: {  	s10 =	sld [smem:$0x3FB1];
	_ =	sdelay $0x3  }
0x33: {  	p0 =	seq.s32 s10, $0x1;
	s10 =	sld [smem:$0x3FB3];
	_ =	sdelay $0x3  }
0x34: {  	[smem:$0x3FB3] =	sst s10  }
0x35: {  	s10 =	sld [smem:$0x3FB2];
	_ =	sdelay $0x3  }
0x36: {  	p1 =	seq.s32 s10, $0x1;
	s10 =	sld [smem:$0x3FB3];
	_ =	sdelay $0x3  }
0x37: {  	[smem:$0x3FB3] =	sst s10  }
0x38: {  	s10 =	sld [smem:$0x3FB4]  }
0x39: {  	_ = 	snop;
	(pc) =	sbr.ind lr, $3  }
0x3a: {  	_ = 	snop  }
0x3b: {  	_ = 	snop  }
0x3c: {  	p2 =	seq.s32 s10, $0x1;
	s10 =	sld [smem:$0x3FB3]  }
0x3d: {  	_ =	shalt  }
0x3e: {  	_ =	shalt  }
0x3f: {  	_ =	shalt  }
0x40: {  	_ =	shalt  }
0x41: {  	_ =	shalt  }
0x42: {  	_ =	shalt  }
0x43: {  	_ =	shalt  }
0x44: {  	_ =	shalt  }
0x45: {  	_ =	shalt  }
0x46: {  	_ =	shalt  }
0x47: {  	_ =	shalt  }
0x48: {  	_ =	shalt  }
0x49: {  	_ =	shalt  }
0x4a: {  	_ =	shalt  }
0x4b: {  	_ =	shalt  }
0x4c: {  	_ =	shalt  }
0x4d: {  	_ =	shalt  }
0x4e: {  	_ =	shalt  }
0x4f: {  	_ =	shalt  }
0x50: {  	_ =	shalt  }
0x51: {  	_ =	shalt  }
0x52: {  	_ =	shalt  }
0x53: {  	_ =	shalt  }
0x54: {  	_ =	shalt  }
0x55: {  	_ =	shalt  }
0x56: {  	_ =	shalt  }
0x57: {  	_ =	shalt  }
0x58: {  	_ =	shalt  }
0x59: {  	_ =	shalt  }
0x5a: {  	_ =	shalt  }
0x5b: {  	_ =	shalt  }
0x5c: {  	_ =	shalt  }
0x5d: {  	_ =	shalt  }
0x5e: {  	_ =	shalt  }
0x5f: {  	_ =	shalt  }
0x60: {  	_ =	shalt  }
0x61: {  	_ =	shalt  }
0x62: {  	_ =	shalt  }
0x63: {  	_ =	shalt  }
0x64: {  	_ =	shalt  }
0x65: {  	_ =	shalt  }
0x66: {  	_ =	shalt  }
0x67: {  	_ =	shalt  }
0x68: {  	_ =	shalt  }
0x69: {  	_ =	shalt  }
0x6a: {  	_ =	shalt  }
0x6b: {  	_ =	shalt  }
0x6c: {  	_ =	shalt  }
0x6d: {  	_ =	shalt  }
0x6e: {  	_ =	shalt  }
0x6f: {  	_ =	shalt  }
0x70: {  	_ =	shalt  }
0x71: {  	_ =	shalt  }
0x72: {  	_ =	shalt  }
0x73: {  	_ =	shalt  }
0x74: {  	_ =	shalt  }
0x75: {  	_ =	shalt  }
0x76: {  	_ =	shalt  }
0x77: {  	_ =	shalt  }
0x78: {  	_ =	shalt  }
0x79: {  	_ =	shalt  }
0x7a: {  	_ =	shalt  }
0x7b: {  	_ =	shalt  }
0x7c: {  	_ =	shalt  }
0x7d: {  	_ =	shalt  }
0x7e: {  	_ =	shalt  }
0x7f: {  	_ =	shalt  }
0x80: {  	_ =	shalt  }
0x81: {  	_ =	shalt  }
0x82: {  	_ =	shalt  }
0x83: {  	_ =	shalt  }
0x84: {  	_ =	shalt  }
0x85: {  	_ =	shalt  }
0x86: {  	_ =	shalt  }
0x87: {  	_ =	shalt  }
.Lfunc_end0:
.L_simem_size_0:
called_computation_lowered:
.L_overlay_start_0:
0x88: {  	s2 =	sld [smem:$0x3FD9]  }
0x89: {  	s3 =	sld [smem:$0x3FFE];
	_ =	sdelay $0x1  }
0x8a: {  	s1 =	srdreg.scid  }
0x8b: {  	s0 =	sand.u32 $0x1, s1  }
0x8c: {  	s16 =	sshll.u32 s0, $0xA;
	s2 =	sadd.s32 s3, s2  }
0x8d: {  	s2 =	sadd.s32 s2, s16  }
0x8e: {  	[smem:$0x3FBF] =	sst s2  }
0x8f: {  	_ = 	snop  }
0x90: {  	(tm) =	ssettm $0x1  }
0x91: {  	s17 =	sld [smem:$0x3FFB];
	_ =	sdelay $0x3  }
0x92: {  	_ =	strace s17  }
0x93: {  	s2 =	sld [smem:$0x3FFC];
	_ =	sdelay $0x3  }
0x94: {  	_ =	strace s2  }
0x95: {  	s2 =	sld [smem:$0x3FFD];
	_ =	sdelay $0x3  }
0x96: {  	_ =	strace s2  }
0x97: {  	_ =	strace $0x8FFFFFFF  }
0x98: {  	s18 =	sld [smem:$0x3FDB];
	_ =	sdelay $0x1  }
0x99: {  	s19 =	simm.s32 $_scs_section_size  }
0x9a: {  	s4 =	simm.s32 $_size__tile_overlayer_lowered;
	s5 =	simm.s32 $_tile_overlayer_lowered  }
0x9b: {  	s22 =	simm.s32 $0x1BFF;
	s21 =	sshll.u32 s5, $0x1;
	s2 =	sadd.s32 s19, s18  }
0x9c: {  	s6 =	simm.s32 $0x0;
	s20 =	sshll.u32 s4, $0x1;
	s4 =	sadd.s32 s21, s2  }
0x9d: {  	[timem:s6], [sflag:s22] =	dma.local [hbm:s4], s20  }
0x9e: {  	_ =	swait.ge [sflag:s22], s20  }
0x9f: {  	s3 =	ssub.s32 $0x0, s20;
	[sflag:s22] =	ssyncset.done $0x0  }
0xa0: {  	[sflag:s22] =	ssyncadd.s32 s3;
	_ =	sdelay $0x1  }
0xa1: {  	s23 =	simm.s32 $0x1B8B  }
0xa2: {  	_ =	swait.ge [sflag:s23], $0x1  }
0xa3: {  	[sflag:s23] =	ssyncset.done $0x0  }
0xa4: {  	s25 =	simm.s32 $0x1B8E;
	s24 =	sld [smem:$0x3FFE];
	[sflag:s23] =	ssyncadd.s32 $0xFFFFFFFF  }
0xa5: {  	s26 =	simm.s32 $execute0_lowered;
	[smem:$0x3FD2] =	sst s25  }
0xa6: {  	s4 =	sshll.u32 s26, $0x1;
	_ =	strace $0x80000046;
	[dreg:$0x1] =	wrdreg $0xFFFFFFFF  }
0xa7: {  	s28 =	simm.s32 $_size_execute0_lowered;
	s2 =	sadd.s32 s2, s4;
	[dreg:$0x0] =	wrdreg $0x0  }
0xa8: {  	s4 =	sshll.u32 s28, $0x1;
	[dreg:$0x2] =	wrdreg s2  }
0xa9: {  	[dreg:$0x3] =	wrdreg s4  }
0xaa: {  	[dreg:$0x4] =	wrdreg $0xC0  }
0xab: {  	_ =	task [dreg:s6], $0x5FFFF  }
0xac: {  	[dreg:$0x1] =	wrdreg $0xFFFFFFFF  }
0xad: {  	[dreg:$0x0] =	wrdreg $0x60  }
0xae: {  	[dreg:$0x2] =	wrdreg s24  }
0xaf: {  	[dreg:$0x3] =	wrdreg $0x0  }
0xb0: {  	[dreg:$0x4] =	wrdreg $0x9  }
0xb1: {  	_ =	task.clear_ibuf [dreg:s6], $0x5FFFF;
	_ =	strace $0x90000046  }
0xb2: {  	s29 =	simm.s32 $0x9;
	_ =	strace $0x80000048  }
0xb3: {  	_ =	swait.ge [sflag:s29], $0x1  }
0xb4: {  	[sflag:s29] =	ssyncadd.s32 $0xFFFFFFFF  }
0xb5: {  	_ =	strace $0x90000048  }
0xb6: {  	_ =	sfence  }
0xb7: {  	s30 =	sld [smem:$0x0];
	_ =	sdelay $0x2  }
0xb8: {  	s31 =	sshll.u32 s1, $0xD;
	s1 =	sshrl.u32 s1, $0x2  }
0xb9: {  	s3 =	sand.u32 $0x4000, s31;
	s1 =	sadd.s32 s1, s30  }
0xba: {  	s0 =	sor.u32 s3, s0;
	s1 =	sshll.u32 s1, $0x11  }
0xbb: {  	s0 =	sor.u32 s1, s0  }
0xbc: {  	s0 =	sadd.s32 $0x8F2B, s0  }
0xbd: {  	[sflag:s0] =	ssyncadd.remote.s32 $0x1  }
0xbe: {  	_ =	sfence.sel $0xFFFF  }
0xbf: {  	[dreg:$0x0] =	wrdreg $0xFFFFFFFF;
	(pc) =	sbr.abs _section_cstart, $3  }
0xc0: {  	[dreg:$0x1] =	wrdreg $0xFFFFFFFF  }
0xc1: {  	_ =	task.clear_ibuf [dreg:s6], $0x2FFFF;
	_ =	strace $0x9FFFFFFF  }
0xc2: {  	(tm) =	ssettm $0x7FFFFFFF  }
0xc3: {  	_ =	shalt  }
tec
execute0_lowered:
.L_overlay_start_1:
0x0: {  	(tag) =	ssettag $0x1  }
0x1: {  	s4 =	rddreg [dreg:$0x0]  }
0x2: {  	s2 =	rddreg [dreg:$0x1]  }
0x3: {  	s1 =	srdreg.scid;
	s0 =	rddreg [dreg:$0x2]  }
0x4: {  	s3 =	simm.s32 $0x0;
	s14 =	simm.s32 $0x7080;
	s15 =	simm.s32 $0x1  }
0x5: {  	s16 =	simm.s32 $0x80;
	s17 =	simm.s32 $0x3000;
	s5 =	sand.u32 $0x1, s1  }
0x6: {  	s18 =	simm.s32 $0x2;
	s1 =	stileid.u32;
	s6 =	smul.u32 $0x140000, s5  }
0x7: {  	s20 =	simm.s32 $0x0;
	[smem:$0x7FF] =	sst s3;
	s7 =	smul.u32 $0x14000, s1  }
0x8: {  	s10 =	sadd.s32 $0xDC00, s4;
	s8 =	sshll.u32 s5, $0x4;
	s9 =	smul.u32 $0x50000, s1  }
0x9: {  	_ =	strace $0x80000047;
	s25 =	ssub.s32 $0x2, s5;
	s5 =	smul.u32 $0x28000, s5  }
0xa: {  	s12 =	smul.u32 $0x2800, s1;
	s19 =	sshll.u32 s1, $0x6;
	s8 =	sor.u32 s1, s8  }
0xb: {  	s11 =	sshrl.u32 s25, $0x1;
	s19 =	sor.u32 $0x1C03, s19;
	s8 =	smul.u32 $0x2800, s8  }
0xc: {  	s6 =	sadd.s32 s7, s6;
	s11 =	ssub.s32 s25, s11;
	s28 =	sshrl.u32 s9, $0x2  }
0xd: {  	s29 =	sadd.s32 s12, s5;
	s6 =	sshrl.u32 s6, $0x3;
	s5 =	sadd.s32 s28, s2  }
0xe: {  	s30 =	sor.u32 $0x180, s29;
	s12 =	sor.u32 $0x100, s29;
	s13 =	sadd.s32 s6, s4  }
0xf: {  	s26 =	sshrl.u32 s8, $0x3;
	s9 =	sshrl.u32 s30, $0x3;
	s8 =	smax.u32 s11, $0x1  }
0x10: {  	s31 =	sshrl.u32 s12, $0x3;
	s11 =	simm.s32 $0x2800;
	s12 =	simm.s32 $0x3  }
0x11: {  	s4 =	sadd.s32 s10, s26;
	s7 =	sadd.s32 $0x17C00, s13;
	s9 =	sadd.s32 s9, s10  }
0x12: {  	v0 =	vimm.f32 $0.0e+00;
	v1 =	vimm.f32 $1.000000000e+00;
	s10 =	sadd.s32 s31, s10;
	s13 =	simm.s32 $0x7000;
	s6 =	sadd.s32 $0x10, s4  }
.LBB2_1:
0x13: {  	[tilespmem:$0x2800] =	vst v0  }
0x14: {  	[tilespmem:$0x2880] =	vst v0  }
0x15: {  	[tilespmem:$0x2900] =	vst v0  }
0x16: {  	[tilespmem:$0x2980] =	vst v0  }
0x17: {  	[tilespmem:$0x2A00] =	vst v0  }
0x18: {  	[tilespmem:$0x2A80] =	vst v0  }
0x19: {  	[tilespmem:$0x2B00] =	vst v0  }
0x1a: {  	[tilespmem:$0x2B80] =	vst v0  }
0x1b: {  	[tilespmem:$0x2C00] =	vst v0  }
0x1c: {  	[tilespmem:$0x2C80] =	vst v0  }
0x1d: {  	[tilespmem:$0x2D00] =	vst v0  }
0x1e: {  	[tilespmem:$0x2D80] =	vst v0  }
0x1f: {  	[tilespmem:$0x2E00] =	vst v0  }
0x20: {  	[tilespmem:$0x2E80] =	vst v0  }
0x21: {  	[tilespmem:$0x2F00] =	vst v0  }
0x22: {  	[tilespmem:$0x2F80] =	vst v0;
	s21 =	sadd.s32 $0x0, s5  }
0x23: {  	[spmem:s21] =	stream.linear.scatter [tilespmem:s11], [sflag:$0x3], $0x800, $0x38;
	[tilespmem:$0x7100] =	vst v63  }
0x24: {  	s21 =	simm.s32 $0x2000;
	_ =	swait.ge [sflag:s12], $0x800  }
.LBB2_2:
0x25: {  	s22 =	sshra.s32 s21, $0x2;
	[sflag:s12] =	ssyncset.done $0x0;
	p0 =	sne.s32 s21, $0x4E000  }
.Ltmp0:
0x26: {  	s22 =	sadd.s32 s22, s5;
	[sflag:s12] =	ssyncadd.s32 $0xFFFFF800;
	(pc) =	sbr.rel @p0 .LBB2_2-.Ltmp0, $3  }
0x27: {  	[spmem:s22] =	stream.linear.scatter [tilespmem:s11], [sflag:$0x3], $0x800, $0x38;
	[tilespmem:$0x7100] =	vst v63  }
0x28: {  	s21 =	sadd.s32 $0x2000, s21;
	_ =	sdelay $0x1  }
0x29: {  	_ =	swait.ge [sflag:s12], $0x800  }
0x2a: {  	[sflag:s12] =	ssyncset.done $0x0  }
0x2b: {  	s21 =	simm.s32 $0x200;
	s22 =	simm.s32 $0x0;
	[sflag:s12] =	ssyncadd.s32 $0xFFFFF800  }
.LBB2_4:
0x2c: {  	p0 =	sne.s32 s21, $0xFE00;
	[tilespmem:s22+$0x3000] =	vst v1;
	s22 =	smov.u32 s21;
	s21 =	sadd.s32 $0x200, s21  }
.Ltmp1:
0x2d: {  	(pc) =	sbr.rel @p0 .LBB2_4-.Ltmp1, $2  }
0x2e: {  	_ =	sdelay $0x2  }
0x2f: {  	s22 =	sshra.s32 s22, $0x2  }
0x30: {  	[tilespmem:s22+$0x3000] =	vst v1  }
0x31: {  	s21 =	simm.s32 $0x0;
	[bflag:$0x0] =	sbarrier.arrive $0xFFFF  }
0x32: {  	[tilespmem:s13], [sflag:$0x1] =	stream.linear.gather [hbm4b:s4+s21], $0x80, $0x38;
	[tilespmem:$0x7100] =	vst v63  }
0x33: {  	_ = 	snop  }
0x34: {  	[tilespmem:s14], [sflag:$0x2] =	stream.linear.gather [hbm4b:s6+s21], $0x80, $0x38;
	[tilespmem:$0x7100] =	vst v63  }
0x35: {  	_ =	swait.ge [sflag:s15], $0x80  }
0x36: {  	[sflag:s15] =	ssyncset.done $0x0  }
0x37: {  	[sflag:s15] =	ssyncadd.s32 $0xFFFFFF80  }
0x38: {  	[spmem:s2] =	stream.indirect.scatter.add.f32 [tilespmem:s17], [sflag:$0x3], $0x10, s13, s16, $0xb8;
	[tilespmem:$0x7100] =	vst v63  }
0x39: {  	_ =	swait.ge [sflag:s12], $0x800  }
0x3a: {  	[sflag:s12] =	ssyncset.done $0x0  }
0x3b: {  	s31 =	sadd.s32 $0x0, s10;
	[sflag:s12] =	ssyncadd.s32 $0xFFFFF800  }
0x3c: {  	[tilespmem:s13], [sflag:$0x1] =	stream.linear.gather [hbm4b:s31+s3], $0x80, $0x38;
	[tilespmem:$0x7100] =	vst v63  }
0x3d: {  	_ =	swait.ge [sflag:s18], $0x80  }
0x3e: {  	[sflag:s18] =	ssyncset.done $0x0  }
0x3f: {  	[sflag:s18] =	ssyncadd.s32 $0xFFFFFF80  }
0x40: {  	[spmem:s2] =	stream.indirect.scatter.add.f32 [tilespmem:s17], [sflag:$0x3], $0x10, s14, s16, $0xb8;
	[tilespmem:$0x7100] =	vst v63  }
0x41: {  	_ =	swait.ge [sflag:s12], $0x800  }
0x42: {  	[sflag:s12] =	ssyncset.done $0x0  }
0x43: {  	s22 =	sadd.s32 $0x0, s9;
	s21 =	simm.s32 $0x20;
	[sflag:s12] =	ssyncadd.s32 $0xFFFFF800  }
.LBB2_6:
0x44: {  	[tilespmem:s14], [sflag:$0x2] =	stream.linear.gather [hbm4b:s22+s3], $0x80, $0x38;
	[tilespmem:$0x7100] =	vst v63  }
0x45: {  	s22 =	smov.u32 s21  }
0x46: {  	p0 =	sne.s32 s21, $0x4C0;
	s21 =	sadd.s32 $0x20, s21;
	_ =	swait.ge [sflag:s15], $0x80  }
0x47: {  	[sflag:s15] =	ssyncset.done $0x0  }
0x48: {  	[sflag:s15] =	ssyncadd.s32 $0xFFFFFF80  }
0x49: {  	[spmem:s2] =	stream.indirect.scatter.add.f32 [tilespmem:s17], [sflag:$0x3], $0x10, s13, s16, $0xb8;
	[tilespmem:$0x7100] =	vst v63  }
0x4a: {  	_ =	swait.ge [sflag:s12], $0x800  }
0x4b: {  	[sflag:s12] =	ssyncset.done $0x0  }
0x4c: {  	s23 =	sadd.s32 s22, s10;
	[sflag:s12] =	ssyncadd.s32 $0xFFFFF800  }
0x4d: {  	[tilespmem:s13], [sflag:$0x1] =	stream.linear.gather [hbm4b:s23+s3], $0x80, $0x38;
	[tilespmem:$0x7100] =	vst v63  }
0x4e: {  	_ =	swait.ge [sflag:s18], $0x80  }
0x4f: {  	[sflag:s18] =	ssyncset.done $0x0  }
.Ltmp2:
0x50: {  	[sflag:s18] =	ssyncadd.s32 $0xFFFFFF80;
	(pc) =	sbr.rel @p0 .LBB2_6-.Ltmp2, $4  }
0x51: {  	[spmem:s2] =	stream.indirect.scatter.add.f32 [tilespmem:s17], [sflag:$0x3], $0x10, s14, s16, $0xb8;
	[tilespmem:$0x7100] =	vst v63  }
0x52: {  	_ =	swait.ge [sflag:s12], $0x800  }
0x53: {  	[sflag:s12] =	ssyncset.done $0x0  }
0x54: {  	s22 =	sadd.s32 s22, s9;
	[sflag:s12] =	ssyncadd.s32 $0xFFFFF800  }
0x55: {  	[tilespmem:s14], [sflag:$0x2] =	stream.linear.gather [hbm4b:s22+s3], $0x80, $0x38;
	[tilespmem:$0x7100] =	vst v63  }
0x56: {  	_ =	swait.ge [sflag:s15], $0x80  }
0x57: {  	[sflag:s15] =	ssyncset.done $0x0  }
0x58: {  	[sflag:s15] =	ssyncadd.s32 $0xFFFFFF80  }
0x59: {  	[spmem:s2] =	stream.indirect.scatter.add.f32 [tilespmem:s17], [sflag:$0x3], $0x10, s13, s16, $0xb8;
	[tilespmem:$0x7100] =	vst v63  }
0x5a: {  	_ =	swait.ge [sflag:s12], $0x800  }
0x5b: {  	[sflag:s12] =	ssyncset.done $0x0  }
0x5c: {  	[sflag:s12] =	ssyncadd.s32 $0xFFFFF800  }
0x5d: {  	_ =	swait.ge [sflag:s18], $0x80  }
0x5e: {  	[sflag:s18] =	ssyncset.done $0x0  }
0x5f: {  	[sflag:s18] =	ssyncadd.s32 $0xFFFFFF80  }
0x60: {  	[spmem:s2] =	stream.indirect.scatter.add.f32 [tilespmem:s17], [sflag:$0x3], $0x10, s14, s16, $0xb8;
	[tilespmem:$0x7100] =	vst v63  }
0x61: {  	_ =	swait.ge [sflag:s12], $0x800  }
0x62: {  	s20 =	sadd.s32 $0x1, s20;
	[sflag:s12] =	ssyncset.done $0x0  }
0x63: {  	p0 =	sne.s32 s20, s8;
	[sflag:s12] =	ssyncadd.s32 $0xFFFFF800  }
.Ltmp3:
0x64: {  	s21 =	sshrl.u32 s5, $0x3;
	[bflag:$0x0] =	sbarrier.arrive $0xFFFF;
	(pc) =	sbr.rel @p0 .LBB2_1-.Ltmp3, $4  }
0x65: {  	[hbm:s7], [sflag:s19] =	dma.local [spmem:s21], $0x2800  }
0x66: {  	_ =	swait.ge [sflag:s12], $0x2800  }
0x67: {  	[sflag:s12] =	ssyncset.done $0x0  }
0x68: {  	[sflag:s12] =	ssyncadd.s32 $0xFFFFD800  }
0x69: {  	_ =	sfence.sel $0x180000  }
0x6a: {  	[bflag:$0x0] =	sbarrier.arrive $0xFFFF  }
0x6b: {  	p0 =	sne.s32 s1, $0x0;
	_ =	strace $0x90000047  }
0x6c: {  	s0 =	sadd.s32 @!p0 $0x100000, s0;
	[bflag:$0x2] =	sbarrier.arrive $0xFFFF  }
0x6d: {  	[sflag:s0] =	ssyncadd.tile.s32 @!p0 $0x1;
	_ =	shalt  }
.Lfunc_end2:
_tile_overlayer_lowered:
.L_overlay_start_2:
0x6e: {  	(tag) =	ssettag $0x2  }
0x6f: {  	s0 =	rddreg [dreg:$0x0];
	s2 =	stileid.u32  }
0x70: {  	s1 =	rddreg [dreg:$0x1];
	p0 =	sne.s32 s2, $0x0  }
0x71: {  	s3 =	rddreg [dreg:$0x2];
	[bflag:$0x3] =	sbarrier.arrive $0xFFFF;
	s2 =	simm.s32 @!p0 $0x1C03  }
0x72: {  	[timem:s3], [sflag:s2] =	dma.local @!p0 [hbm:s0], s1  }
0x73: {  	s0 =	simm.s32 @!p0 $0x3  }
0x74: {  	_ =	swait.ge @!p0 [sflag:s0], s1  }
0x75: {  	s1 =	ssub.s32 @!p0 $0x0, s1;
	[sflag:s0] =	ssyncset.done @!p0 $0x0  }
0x76: {  	[sflag:s0] =	ssyncadd.s32 @!p0 s1  }
0x77: {  	[bflag:$0x3] =	sbarrier.arrive $0xFFFF  }
0x78: {  	_ =	shalt  }

</sc_bundles>
